<compile_context>
chip_gen: v7x
topology: tpu7x:2x2x1
jax: 0.10.2.dev20260603
libtpu: 0.0.44.dev20260713+nightly
codegen_flags: <defaults>
</compile_context>

<pallas_src>
import jax
import jax.numpy as jnp
from jax import lax
from jax.experimental import pallas as pl
from jax.experimental.pallas import tpu as pltpu
from jax.experimental.pallas import tpu_sc as plsc

N_NODES = 10000
N_PAD = 10240
D = 128
DH = D // 2
N_EDGES = 320000
NT = 16
CHUNK = 125
NCHUNK = N_EDGES // NT // CHUNK
ROWS_PER_TILE = N_PAD // NT


def _sc_body(xl_hbm, xr_hbm, src_hbm, dst_hbm, s_out, deg_out,
             src_v, dst_v, rows0_v, rows1_v, ones_v, zdeg_v, zrow_v,
             gsem0, gsem1, dsem, agg_sh, deg_sh):
    c = lax.axis_index("c")
    s = lax.axis_index("s")

    @pl.loop(0, 128)
    def _(r):
        for j in range(DH // 16):
            zrow_v[r, pl.ds(j * 16, 16)] = jnp.zeros((16,), jnp.float32)

    @pl.loop(0, ROWS_PER_TILE // 16)
    def _(k):
        zdeg_v[pl.ds(k * 16, 16)] = jnp.zeros((16,), jnp.float32)

    for k in range(8):
        ones_v[pl.ds(k * 16, 16)] = jnp.ones((16,), jnp.float32)

    for k in range(ROWS_PER_TILE // 128):
        pltpu.sync_copy(zrow_v, agg_sh.at[pl.ds(s * ROWS_PER_TILE + k * 128, 128)])
    pltpu.sync_copy(zdeg_v, deg_sh.at[pl.ds(s * ROWS_PER_TILE, ROWS_PER_TILE)])
    plsc.subcore_barrier()

    pltpu.sync_copy(src_hbm.at[s], src_v)
    pltpu.sync_copy(dst_hbm.at[s], dst_v)

    def main_loop(x_hbm, deg_first_half):
        pltpu.async_copy(x_hbm.at[src_v.at[0]], rows0_v, gsem0)

        @pl.loop(0, NCHUNK // 2)
        def _(p):
            c0 = 2 * p
            dcond = (p < NCHUNK // 4) if deg_first_half else (p >= NCHUNK // 4)
            g1 = pltpu.async_copy(x_hbm.at[src_v.at[c0 + 1]], rows1_v, gsem1)
            pltpu.make_async_copy(x_hbm.at[src_v.at[c0]], rows0_v, gsem0).wait()

            @pl.when(dcond)
            def _():
                d0 = pltpu.async_copy(ones_v.at[pl.ds(0, CHUNK)],
                                      deg_sh.at[dst_v.at[c0]], dsem, add=True)
                pltpu.sync_copy(rows0_v, agg_sh.at[dst_v.at[c0]], add=True)
                d0.wait()

            @pl.when(jnp.logical_not(dcond))
            def _():
                pltpu.sync_copy(rows0_v, agg_sh.at[dst_v.at[c0]], add=True)

            @pl.when(p < NCHUNK // 2 - 1)
            def _():
                pltpu.async_copy(x_hbm.at[src_v.at[c0 + 2]], rows0_v, gsem0)

            g1.wait()

            @pl.when(dcond)
            def _():
                d1 = pltpu.async_copy(ones_v.at[pl.ds(0, CHUNK)],
                                      deg_sh.at[dst_v.at[c0 + 1]], dsem, add=True)
                pltpu.sync_copy(rows1_v, agg_sh.at[dst_v.at[c0 + 1]], add=True)
                d1.wait()

            @pl.when(jnp.logical_not(dcond))
            def _():
                pltpu.sync_copy(rows1_v, agg_sh.at[dst_v.at[c0 + 1]], add=True)

    @pl.when(c == 0)
    def _():
        main_loop(xl_hbm, True)

    @pl.when(c == 1)
    def _():
        main_loop(xr_hbm, False)

    plsc.subcore_barrier()

    pltpu.sync_copy(agg_sh.at[pl.ds(s * ROWS_PER_TILE, ROWS_PER_TILE)],
                    s_out.at[c, pl.ds(s * ROWS_PER_TILE, ROWS_PER_TILE)])
    pltpu.sync_copy(deg_sh.at[pl.ds(s * ROWS_PER_TILE, ROWS_PER_TILE)],
                    deg_out.at[c, pl.ds(s * ROWS_PER_TILE, ROWS_PER_TILE)])


@jax.jit
def _sc_scatter(xl, xr, src, dst):
    mesh = plsc.VectorSubcoreMesh(core_axis_name="c", subcore_axis_name="s")
    return pl.kernel(
        _sc_body,
        out_type=(
            jax.ShapeDtypeStruct((2, N_PAD, DH), jnp.float32),
            jax.ShapeDtypeStruct((2, N_PAD), jnp.float32),
        ),
        mesh=mesh,
        compiler_params=pltpu.CompilerParams(use_tc_tiling_on_sc=False),
        scratch_types=(
            pltpu.VMEM((NCHUNK, CHUNK), jnp.int32),
            pltpu.VMEM((NCHUNK, CHUNK), jnp.int32),
            pltpu.VMEM((CHUNK, DH), jnp.float32),
            pltpu.VMEM((CHUNK, DH), jnp.float32),
            pltpu.VMEM((128,), jnp.float32),
            pltpu.VMEM((ROWS_PER_TILE,), jnp.float32),
            pltpu.VMEM((128, DH), jnp.float32),
            pltpu.SemaphoreType.DMA,
            pltpu.SemaphoreType.DMA,
            pltpu.SemaphoreType.DMA,
            pltpu.VMEM_SHARED((N_PAD, DH), jnp.float32),
            pltpu.VMEM_SHARED((N_PAD,), jnp.float32),
        ),
    )(xl, xr, src, dst)


BM = 2048


def _tc_body(x_ref, s_ref, deg_ref, ws_ref, wn_ref, b_ref, o_ref):
    inv = 1.0 / jnp.maximum(deg_ref[0, :] + deg_ref[1, :], 1.0)
    al = s_ref[0] * inv[:, None]
    ar = s_ref[1] * inv[:, None]
    o_ref[...] = (
        jnp.dot(x_ref[...], ws_ref[...], preferred_element_type=jnp.float32)
        + jnp.dot(al, wn_ref[0], preferred_element_type=jnp.float32)
        + jnp.dot(ar, wn_ref[1], preferred_element_type=jnp.float32)
        + b_ref[...]
    )


@jax.jit
def _tc_combine(x, s_agg, deg_part, w_self, w_neigh, b2d):
    grid = (N_PAD // BM,)
    return pl.pallas_call(
        _tc_body,
        grid=grid,
        in_specs=[
            pl.BlockSpec((BM, D), lambda i: (i, 0)),
            pl.BlockSpec((2, BM, DH), lambda i: (0, i, 0)),
            pl.BlockSpec((2, BM), lambda i: (0, i)),
            pl.BlockSpec((D, D), lambda i: (0, 0)),
            pl.BlockSpec((2, DH, D), lambda i: (0, 0, 0)),
            pl.BlockSpec((1, D), lambda i: (0, 0)),
        ],
        out_specs=pl.BlockSpec((BM, D), lambda i: (i, 0)),
        out_shape=jax.ShapeDtypeStruct((N_NODES, D), jnp.float32),
    )(x, s_agg, deg_part, w_self, w_neigh, b2d)


def kernel(vert_features, edges, W_self, W_neigh, b):
    x = vert_features
    xl = x[:, :DH]
    xr = x[:, DH:]
    src = edges[0].astype(jnp.int32).reshape(NT, NCHUNK, CHUNK)
    dst = edges[1].astype(jnp.int32).reshape(NT, NCHUNK, CHUNK)
    s_agg, deg_part = _sc_scatter(xl, xr, src, dst)
    wn2 = W_neigh.reshape(2, DH, D)
    return _tc_combine(x, s_agg, deg_part, W_self, wn2, b.reshape(1, D))

# --- scband reference (transcript-rebuilt; emitter-appended) ---
"""Pipeline reference for scband-graph-conv-block-3100966387879 (READ-ONLY COPY).

The authoritative reference and input builder live on the scoring server;
editing this copy changes nothing except your own understanding.
"""

import jax, jax.numpy as jnp
import numpy as np

N_NODES = 10000
N_EDGES = 320000
D_IN = 128
D_OUT = 128


def _my_graph_conv(x, edges, W_self, W_neigh, b):
    # MyGraphConv(in, out, normalize=True):
    # mean-aggregate neighbor features along edges (src -> dst),
    # then linear transform of self + aggregated neighbor features.
    src = edges[0]
    dst = edges[1]
    n = x.shape[0]
    gathered = jnp.take(x, src, axis=0)                      # gather  [E, d]
    agg = jnp.zeros((n, x.shape[1]), dtype=x.dtype).at[dst].add(gathered)  # scatter-add
    deg = jnp.zeros((n,), dtype=x.dtype).at[dst].add(1.0)
    agg = agg / jnp.clip(deg, 1.0)[:, None]                  # degree normalization
    return x @ W_self + agg @ W_neigh + b


def setup_inputs(seed: int = 0) -> dict:
    key = jax.random.key(seed)
    k1, k2, k3, k4, k5 = jax.random.split(key, 5)
    vert_features = jax.random.normal(k1, (N_NODES, D_IN), dtype=jnp.float32)
    edges = jax.random.randint(k2, (2, N_EDGES), 0, N_NODES, dtype=jnp.int64)
    # learned parameters of the single MyGraphConv layer (hidden_features=None -> one layer)
    scale = 1.0 / np.sqrt(D_IN)
    W_self = jax.random.uniform(k3, (D_IN, D_OUT), dtype=jnp.float32, minval=-scale, maxval=scale)
    W_neigh = jax.random.uniform(k4, (D_IN, D_OUT), dtype=jnp.float32, minval=-scale, maxval=scale)
    b = jax.random.uniform(k5, (D_OUT,), dtype=jnp.float32, minval=-scale, maxval=scale)
    return {"vert_features": vert_features, "edges": edges, "W_self": W_self, "W_neigh": W_neigh, "b": b}


def reference(vert_features, edges, W_self, W_neigh, b):
    # GraphConvBlock with hidden_features=None => graph_convs = [MyGraphConv(128,128)];
    # the loop over graph_convs[:-1] is empty, so no ReLU is applied.
    out = _my_graph_conv(vert_features, edges, W_self, W_neigh, b)
    return out

if __name__ == "__main__":
    import jax
    _d = setup_inputs()
    print(jax.jit(kernel)(*tuple(_d.values())))

</pallas_src>

<mosaic_0001>
#map = affine_map<(d0, d1) -> (0, 0)>
#map1 = affine_map<(d0, d1) -> (0, 0, 0)>
module attributes {stable_mosaic.version = 14 : i64} {
  func.func @_sc_body(%arg0: i32, %arg1: i32, %arg2: memref<10000x64xf32, #tpu.memory_space<hbm>>, %arg3: memref<10000x64xf32, #tpu.memory_space<hbm>>, %arg4: memref<16x160x125xi32, #tpu.memory_space<hbm>>, %arg5: memref<16x160x125xi32, #tpu.memory_space<hbm>>, %arg6: memref<2x10240x64xf32, #tpu.memory_space<hbm>>, %arg7: memref<2x10240xf32, #tpu.memory_space<hbm>>, %arg8: memref<160x125xi32, #tpu.memory_space<vmem>>, %arg9: memref<160x125xi32, #tpu.memory_space<vmem>>, %arg10: memref<125x64xf32, #tpu.memory_space<vmem>>, %arg11: memref<125x64xf32, #tpu.memory_space<vmem>>, %arg12: memref<128xf32, #tpu.memory_space<vmem>>, %arg13: memref<640xf32, #tpu.memory_space<vmem>>, %arg14: memref<128x64xf32, #tpu.memory_space<vmem>>, %arg15: memref<!tpu.dma_semaphore, #tpu.memory_space<semaphore_mem>>, %arg16: memref<!tpu.dma_semaphore, #tpu.memory_space<semaphore_mem>>, %arg17: memref<!tpu.dma_semaphore, #tpu.memory_space<semaphore_mem>>, %arg18: memref<10240x64xf32, #tpu.memory_space<vmem_shared>>, %arg19: memref<10240xf32, #tpu.memory_space<vmem_shared>>) attributes {dimension_semantics = [#tpu.dimension_semantics<core_parallel>, #tpu.dimension_semantics<subcore_parallel>], iteration_bounds = array<i64: 2, 16>, scalar_prefetch = 0 : i64, scratch_operands = 12 : i64, tpu.core_type = #tpu.core_type<sc_vector_subcore>, window_params = [{transform_indices = #map}, {transform_indices = #map}, {transform_indices = #map1}, {transform_indices = #map1}, {transform_indices = #map1}, {transform_indices = #map}]} {
    %scan3A = arith.constant 0 : i32
    %scan3A_0 = arith.constant 128 : i32
    %scan3A_1 = arith.addi %scan3A, %scan3A_0 : i32
    %scan3A_2 = arith.constant 1 : i32
    scf.for %scan3A_91 = %scan3A to %scan3A_1 step %scan3A_2  : i32 {
      %mul3A_92 = arith.constant 1 : i32
      %mul3A_93 = arith.muli %scan3A_91, %mul3A_92 : i32
      %add3A_94 = arith.constant 0 : i32
      %add3A_95 = arith.addi %add3A_94, %mul3A_93 : i32
      %broadcast_in_dim3A_96 = arith.constant 0.000000e+00 : f32
      %broadcast_in_dim3A_97 = vector.broadcast %broadcast_in_dim3A_96 : f32 to vector<16xf32>
      %swap3A_98 = arith.index_cast %add3A_95 : i32 to index
      %swap3A_99 = arith.constant 0 : index
      %swap3A_100 = tpu.vector_load %arg14[%swap3A_98, %swap3A_99] {strides = array<i32>} : memref<128x64xf32, #tpu.memory_space<vmem>>, vector<1x16xf32>,
      %swap3A_101 = vector.shape_cast %swap3A_100 : vector<1x16xf32> to vector<16xf32>
      %swap3A_102 = vector.shape_cast %broadcast_in_dim3A_97 : vector<16xf32> to vector<1x16xf32>
      tpu.vector_store %arg14[%swap3A_98, %swap3A_99], %swap3A_102 {strides = array<i32>} : memref<128x64xf32, #tpu.memory_space<vmem>>, vector<1x16xf32>,
      %broadcast_in_dim3A_103 = arith.constant 0.000000e+00 : f32
      %broadcast_in_dim3A_104 = vector.broadcast %broadcast_in_dim3A_103 : f32 to vector<16xf32>
      %swap3A_105 = arith.index_cast %add3A_95 : i32 to index
      %swap3A_106 = arith.constant 16 : index
      %swap3A_107 = tpu.vector_load %arg14[%swap3A_105, %swap3A_106] {strides = array<i32>} : memref<128x64xf32, #tpu.memory_space<vmem>>, vector<1x16xf32>,
      %swap3A_108 = vector.shape_cast %swap3A_107 : vector<1x16xf32> to vector<16xf32>
      %swap3A_109 = vector.shape_cast %broadcast_in_dim3A_104 : vector<16xf32> to vector<1x16xf32>
      tpu.vector_store %arg14[%swap3A_105, %swap3A_106], %swap3A_109 {strides = array<i32>} : memref<128x64xf32, #tpu.memory_space<vmem>>, vector<1x16xf32>,
      %broadcast_in_dim3A_110 = arith.constant 0.000000e+00 : f32
      %broadcast_in_dim3A_111 = vector.broadcast %broadcast_in_dim3A_110 : f32 to vector<16xf32>
      %swap3A_112 = arith.index_cast %add3A_95 : i32 to index
      %swap3A_113 = arith.constant 32 : index
      %swap3A_114 = tpu.vector_load %arg14[%swap3A_112, %swap3A_113] {strides = array<i32>} : memref<128x64xf32, #tpu.memory_space<vmem>>, vector<1x16xf32>,
      %swap3A_115 = vector.shape_cast %swap3A_114 : vector<1x16xf32> to vector<16xf32>
      %swap3A_116 = vector.shape_cast %broadcast_in_dim3A_111 : vector<16xf32> to vector<1x16xf32>
      tpu.vector_store %arg14[%swap3A_112, %swap3A_113], %swap3A_116 {strides = array<i32>} : memref<128x64xf32, #tpu.memory_space<vmem>>, vector<1x16xf32>,
      %broadcast_in_dim3A_117 = arith.constant 0.000000e+00 : f32
      %broadcast_in_dim3A_118 = vector.broadcast %broadcast_in_dim3A_117 : f32 to vector<16xf32>
      %swap3A_119 = arith.index_cast %add3A_95 : i32 to index
      %swap3A_120 = arith.constant 48 : index
      %swap3A_121 = tpu.vector_load %arg14[%swap3A_119, %swap3A_120] {strides = array<i32>} : memref<128x64xf32, #tpu.memory_space<vmem>>, vector<1x16xf32>,
      %swap3A_122 = vector.shape_cast %swap3A_121 : vector<1x16xf32> to vector<16xf32>
      %swap3A_123 = vector.shape_cast %broadcast_in_dim3A_118 : vector<16xf32> to vector<1x16xf32>
      tpu.vector_store %arg14[%swap3A_119, %swap3A_120], %swap3A_123 {strides = array<i32>} : memref<128x64xf32, #tpu.memory_space<vmem>>, vector<1x16xf32>,
    }
    %scan3A_3 = arith.constant 128 : i32
    %scan3A_4 = arith.constant 0 : i32
    %scan3A_5 = arith.constant 40 : i32
    %scan3A_6 = arith.addi %scan3A_4, %scan3A_5 : i32
    %scan3A_7 = arith.constant 1 : i32
    scf.for %scan3A_91 = %scan3A_4 to %scan3A_6 step %scan3A_7  : i32 {
      %mul3A_92 = arith.constant 1 : i32
      %mul3A_93 = arith.muli %scan3A_91, %mul3A_92 : i32
      %add3A_94 = arith.constant 0 : i32
      %add3A_95 = arith.addi %add3A_94, %mul3A_93 : i32
      %broadcast_in_dim3A_96 = arith.constant 0.000000e+00 : f32
      %broadcast_in_dim3A_97 = vector.broadcast %broadcast_in_dim3A_96 : f32 to vector<16xf32>
      %mul3A_98 = arith.constant 16 : i32
      %mul3A_99 = arith.muli %add3A_95, %mul3A_98 : i32
      %swap3A_100 = arith.index_cast %mul3A_99 : i32 to index
      %swap3A_101 = tpu.vector_load %arg13[%swap3A_100] {strides = array<i32>} : memref<640xf32, #tpu.memory_space<vmem>>, vector<16xf32>,
      %swap3A_102 = vector.shape_cast %swap3A_101 : vector<16xf32> to vector<16xf32>
      %swap3A_103 = vector.shape_cast %broadcast_in_dim3A_97 : vector<16xf32> to vector<16xf32>
      tpu.vector_store %arg13[%swap3A_100], %swap3A_103 {strides = array<i32>} : memref<640xf32, #tpu.memory_space<vmem>>, vector<16xf32>,
    }
    %scan3A_8 = arith.constant 40 : i32
    %broadcast_in_dim3A = arith.constant 1.000000e+00 : f32
    %broadcast_in_dim3A_9 = vector.broadcast %broadcast_in_dim3A : f32 to vector<16xf32>
    %swap3A = arith.constant 0 : index
    %swap3A_10 = tpu.vector_load %arg12[%swap3A] {strides = array<i32>} : memref<128xf32, #tpu.memory_space<vmem>>, vector<16xf32>,
    %swap3A_11 = vector.shape_cast %swap3A_10 : vector<16xf32> to vector<16xf32>
    %swap3A_12 = vector.shape_cast %broadcast_in_dim3A_9 : vector<16xf32> to vector<16xf32>
    tpu.vector_store %arg12[%swap3A], %swap3A_12 {strides = array<i32>} : memref<128xf32, #tpu.memory_space<vmem>>, vector<16xf32>,
    %broadcast_in_dim3A_13 = arith.constant 1.000000e+00 : f32
    %broadcast_in_dim3A_14 = vector.broadcast %broadcast_in_dim3A_13 : f32 to vector<16xf32>
    %swap3A_15 = arith.constant 16 : index
    %swap3A_16 = tpu.vector_load %arg12[%swap3A_15] {strides = array<i32>} : memref<128xf32, #tpu.memory_space<vmem>>, vector<16xf32>,
    %swap3A_17 = vector.shape_cast %swap3A_16 : vector<16xf32> to vector<16xf32>
    %swap3A_18 = vector.shape_cast %broadcast_in_dim3A_14 : vector<16xf32> to vector<16xf32>
    tpu.vector_store %arg12[%swap3A_15], %swap3A_18 {strides = array<i32>} : memref<128xf32, #tpu.memory_space<vmem>>, vector<16xf32>,
    %broadcast_in_dim3A_19 = arith.constant 1.000000e+00 : f32
    %broadcast_in_dim3A_20 = vector.broadcast %broadcast_in_dim3A_19 : f32 to vector<16xf32>
    %swap3A_21 = arith.constant 32 : index
    %swap3A_22 = tpu.vector_load %arg12[%swap3A_21] {strides = array<i32>} : memref<128xf32, #tpu.memory_space<vmem>>, vector<16xf32>,
    %swap3A_23 = vector.shape_cast %swap3A_22 : vector<16xf32> to vector<16xf32>
    %swap3A_24 = vector.shape_cast %broadcast_in_dim3A_20 : vector<16xf32> to vector<16xf32>
    tpu.vector_store %arg12[%swap3A_21], %swap3A_24 {strides = array<i32>} : memref<128xf32, #tpu.memory_space<vmem>>, vector<16xf32>,
    %broadcast_in_dim3A_25 = arith.constant 1.000000e+00 : f32
    %broadcast_in_dim3A_26 = vector.broadcast %broadcast_in_dim3A_25 : f32 to vector<16xf32>
    %swap3A_27 = arith.constant 48 : index
    %swap3A_28 = tpu.vector_load %arg12[%swap3A_27] {strides = array<i32>} : memref<128xf32, #tpu.memory_space<vmem>>, vector<16xf32>,
    %swap3A_29 = vector.shape_cast %swap3A_28 : vector<16xf32> to vector<16xf32>
    %swap3A_30 = vector.shape_cast %broadcast_in_dim3A_26 : vector<16xf32> to vector<16xf32>
    tpu.vector_store %arg12[%swap3A_27], %swap3A_30 {strides = array<i32>} : memref<128xf32, #tpu.memory_space<vmem>>, vector<16xf32>,
    %broadcast_in_dim3A_31 = arith.constant 1.000000e+00 : f32
    %broadcast_in_dim3A_32 = vector.broadcast %broadcast_in_dim3A_31 : f32 to vector<16xf32>
    %swap3A_33 = arith.constant 64 : index
    %swap3A_34 = tpu.vector_load %arg12[%swap3A_33] {strides = array<i32>} : memref<128xf32, #tpu.memory_space<vmem>>, vector<16xf32>,
    %swap3A_35 = vector.shape_cast %swap3A_34 : vector<16xf32> to vector<16xf32>
    %swap3A_36 = vector.shape_cast %broadcast_in_dim3A_32 : vector<16xf32> to vector<16xf32>
    tpu.vector_store %arg12[%swap3A_33], %swap3A_36 {strides = array<i32>} : memref<128xf32, #tpu.memory_space<vmem>>, vector<16xf32>,
    %broadcast_in_dim3A_37 = arith.constant 1.000000e+00 : f32
    %broadcast_in_dim3A_38 = vector.broadcast %broadcast_in_dim3A_37 : f32 to vector<16xf32>
    %swap3A_39 = arith.constant 80 : index
    %swap3A_40 = tpu.vector_load %arg12[%swap3A_39] {strides = array<i32>} : memref<128xf32, #tpu.memory_space<vmem>>, vector<16xf32>,
    %swap3A_41 = vector.shape_cast %swap3A_40 : vector<16xf32> to vector<16xf32>
    %swap3A_42 = vector.shape_cast %broadcast_in_dim3A_38 : vector<16xf32> to vector<16xf32>
    tpu.vector_store %arg12[%swap3A_39], %swap3A_42 {strides = array<i32>} : memref<128xf32, #tpu.memory_space<vmem>>, vector<16xf32>,
    %broadcast_in_dim3A_43 = arith.constant 1.000000e+00 : f32
    %broadcast_in_dim3A_44 = vector.broadcast %broadcast_in_dim3A_43 : f32 to vector<16xf32>
    %swap3A_45 = arith.constant 96 : index
    %swap3A_46 = tpu.vector_load %arg12[%swap3A_45] {strides = array<i32>} : memref<128xf32, #tpu.memory_space<vmem>>, vector<16xf32>,
    %swap3A_47 = vector.shape_cast %swap3A_46 : vector<16xf32> to vector<16xf32>
    %swap3A_48 = vector.shape_cast %broadcast_in_dim3A_44 : vector<16xf32> to vector<16xf32>
    tpu.vector_store %arg12[%swap3A_45], %swap3A_48 {strides = array<i32>} : memref<128xf32, #tpu.memory_space<vmem>>, vector<16xf32>,
    %broadcast_in_dim3A_49 = arith.constant 1.000000e+00 : f32
    %broadcast_in_dim3A_50 = vector.broadcast %broadcast_in_dim3A_49 : f32 to vector<16xf32>
    %swap3A_51 = arith.constant 112 : index
    %swap3A_52 = tpu.vector_load %arg12[%swap3A_51] {strides = array<i32>} : memref<128xf32, #tpu.memory_space<vmem>>, vector<16xf32>,
    %swap3A_53 = vector.shape_cast %swap3A_52 : vector<16xf32> to vector<16xf32>
    %swap3A_54 = vector.shape_cast %broadcast_in_dim3A_50 : vector<16xf32> to vector<16xf32>
    tpu.vector_store %arg12[%swap3A_51], %swap3A_54 {strides = array<i32>} : memref<128xf32, #tpu.memory_space<vmem>>, vector<16xf32>,
    %mul3A = arith.constant 640 : i32
    %mul3A_55 = arith.muli %arg1, %mul3A : i32
    %add3A = arith.constant 0 : i32
    %add3A_56 = arith.addi %mul3A_55, %add3A : i32
    "tpu.region"() ({
      %run_scoped3A = tpu.sem_alloc : memref<!tpu.dma_semaphore, #tpu.memory_space<semaphore_mem>>
      %dma_start3A = arith.constant 0 : i32
      %dma_start3A_91 = tpu.memref_slice %arg18[%add3A_56, %dma_start3A] : memref<10240x64xf32, #tpu.memory_space<vmem_shared>> -> memref<128x64xf32, #tpu.memory_space<vmem_shared>>
      %dma_start3A_92 = arith.constant 0 : i32
      %dma_start3A_93 = tpu.memref_slice %arg18[%add3A_56, %dma_start3A_92] : memref<10240x64xf32, #tpu.memory_space<vmem_shared>> -> memref<128x64xf32, #tpu.memory_space<vmem_shared>>
      tpu.enqueue_dma source(%arg14 : memref<128x64xf32, #tpu.memory_space<vmem>>) target(%dma_start3A_93 : memref<128x64xf32, #tpu.memory_space<vmem_shared>>) target_semaphore(%run_scoped3A : memref<!tpu.dma_semaphore, #tpu.memory_space<semaphore_mem>>)
      %dma_wait3A = arith.constant 0 : i32
      %dma_wait3A_94 = tpu.memref_slice %arg18[%add3A_56, %dma_wait3A] : memref<10240x64xf32, #tpu.memory_space<vmem_shared>> -> memref<128x64xf32, #tpu.memory_space<vmem_shared>>
      %dma_wait3A_95 = arith.constant 0 : i32
      %dma_wait3A_96 = tpu.memref_slice %arg18[%add3A_56, %dma_wait3A_95] : memref<10240x64xf32, #tpu.memory_space<vmem_shared>> -> memref<128x64xf32, #tpu.memory_space<vmem_shared>>
      tpu.wait_dma2 semaphore(%run_scoped3A : memref<!tpu.dma_semaphore, #tpu.memory_space<semaphore_mem>>) src(%arg14 : memref<128x64xf32, #tpu.memory_space<vmem>>) dst(%dma_wait3A_96 : memref<128x64xf32, #tpu.memory_space<vmem_shared>>)
      tpu.yield
    }) : () -> ()
    %mul3A_57 = arith.constant 640 : i32
    %mul3A_58 = arith.muli %arg1, %mul3A_57 : i32
    %add3A_59 = arith.constant 128 : i32
    %add3A_60 = arith.addi %mul3A_58, %add3A_59 : i32
    "tpu.region"() ({
      %run_scoped3A = tpu.sem_alloc : memref<!tpu.dma_semaphore, #tpu.memory_space<semaphore_mem>>
      %dma_start3A = arith.constant 0 : i32
      %dma_start3A_91 = tpu.memref_slice %arg18[%add3A_60, %dma_start3A] : memref<10240x64xf32, #tpu.memory_space<vmem_shared>> -> memref<128x64xf32, #tpu.memory_space<vmem_shared>>
      %dma_start3A_92 = arith.constant 0 : i32
      %dma_start3A_93 = tpu.memref_slice %arg18[%add3A_60, %dma_start3A_92] : memref<10240x64xf32, #tpu.memory_space<vmem_shared>> -> memref<128x64xf32, #tpu.memory_space<vmem_shared>>
      tpu.enqueue_dma source(%arg14 : memref<128x64xf32, #tpu.memory_space<vmem>>) target(%dma_start3A_93 : memref<128x64xf32, #tpu.memory_space<vmem_shared>>) target_semaphore(%run_scoped3A : memref<!tpu.dma_semaphore, #tpu.memory_space<semaphore_mem>>)
      %dma_wait3A = arith.constant 0 : i32
      %dma_wait3A_94 = tpu.memref_slice %arg18[%add3A_60, %dma_wait3A] : memref<10240x64xf32, #tpu.memory_space<vmem_shared>> -> memref<128x64xf32, #tpu.memory_space<vmem_shared>>
      %dma_wait3A_95 = arith.constant 0 : i32
      %dma_wait3A_96 = tpu.memref_slice %arg18[%add3A_60, %dma_wait3A_95] : memref<10240x64xf32, #tpu.memory_space<vmem_shared>> -> memref<128x64xf32, #tpu.memory_space<vmem_shared>>
      tpu.wait_dma2 semaphore(%run_scoped3A : memref<!tpu.dma_semaphore, #tpu.memory_space<semaphore_mem>>) src(%arg14 : memref<128x64xf32, #tpu.memory_space<vmem>>) dst(%dma_wait3A_96 : memref<128x64xf32, #tpu.memory_space<vmem_shared>>)
      tpu.yield
    }) : () -> ()
    %mul3A_61 = arith.constant 640 : i32
    %mul3A_62 = arith.muli %arg1, %mul3A_61 : i32
    %add3A_63 = arith.constant 256 : i32
    %add3A_64 = arith.addi %mul3A_62, %add3A_63 : i32
    "tpu.region"() ({
      %run_scoped3A = tpu.sem_alloc : memref<!tpu.dma_semaphore, #tpu.memory_space<semaphore_mem>>
      %dma_start3A = arith.constant 0 : i32
      %dma_start3A_91 = tpu.memref_slice %arg18[%add3A_64, %dma_start3A] : memref<10240x64xf32, #tpu.memory_space<vmem_shared>> -> memref<128x64xf32, #tpu.memory_space<vmem_shared>>
      %dma_start3A_92 = arith.constant 0 : i32
      %dma_start3A_93 = tpu.memref_slice %arg18[%add3A_64, %dma_start3A_92] : memref<10240x64xf32, #tpu.memory_space<vmem_shared>> -> memref<128x64xf32, #tpu.memory_space<vmem_shared>>
      tpu.enqueue_dma source(%arg14 : memref<128x64xf32, #tpu.memory_space<vmem>>) target(%dma_start3A_93 : memref<128x64xf32, #tpu.memory_space<vmem_shared>>) target_semaphore(%run_scoped3A : memref<!tpu.dma_semaphore, #tpu.memory_space<semaphore_mem>>)
      %dma_wait3A = arith.constant 0 : i32
      %dma_wait3A_94 = tpu.memref_slice %arg18[%add3A_64, %dma_wait3A] : memref<10240x64xf32, #tpu.memory_space<vmem_shared>> -> memref<128x64xf32, #tpu.memory_space<vmem_shared>>
      %dma_wait3A_95 = arith.constant 0 : i32
      %dma_wait3A_96 = tpu.memref_slice %arg18[%add3A_64, %dma_wait3A_95] : memref<10240x64xf32, #tpu.memory_space<vmem_shared>> -> memref<128x64xf32, #tpu.memory_space<vmem_shared>>
      tpu.wait_dma2 semaphore(%run_scoped3A : memref<!tpu.dma_semaphore, #tpu.memory_space<semaphore_mem>>) src(%arg14 : memref<128x64xf32, #tpu.memory_space<vmem>>) dst(%dma_wait3A_96 : memref<128x64xf32, #tpu.memory_space<vmem_shared>>)
      tpu.yield
    }) : () -> ()
    %mul3A_65 = arith.constant 640 : i32
    %mul3A_66 = arith.muli %arg1, %mul3A_65 : i32
    %add3A_67 = arith.constant 384 : i32
    %add3A_68 = arith.addi %mul3A_66, %add3A_67 : i32
    "tpu.region"() ({
      %run_scoped3A = tpu.sem_alloc : memref<!tpu.dma_semaphore, #tpu.memory_space<semaphore_mem>>
      %dma_start3A = arith.constant 0 : i32
      %dma_start3A_91 = tpu.memref_slice %arg18[%add3A_68, %dma_start3A] : memref<10240x64xf32, #tpu.memory_space<vmem_shared>> -> memref<128x64xf32, #tpu.memory_space<vmem_shared>>
      %dma_start3A_92 = arith.constant 0 : i32
      %dma_start3A_93 = tpu.memref_slice %arg18[%add3A_68, %dma_start3A_92] : memref<10240x64xf32, #tpu.memory_space<vmem_shared>> -> memref<128x64xf32, #tpu.memory_space<vmem_shared>>
      tpu.enqueue_dma source(%arg14 : memref<128x64xf32, #tpu.memory_space<vmem>>) target(%dma_start3A_93 : memref<128x64xf32, #tpu.memory_space<vmem_shared>>) target_semaphore(%run_scoped3A : memref<!tpu.dma_semaphore, #tpu.memory_space<semaphore_mem>>)
      %dma_wait3A = arith.constant 0 : i32
      %dma_wait3A_94 = tpu.memref_slice %arg18[%add3A_68, %dma_wait3A] : memref<10240x64xf32, #tpu.memory_space<vmem_shared>> -> memref<128x64xf32, #tpu.memory_space<vmem_shared>>
      %dma_wait3A_95 = arith.constant 0 : i32
      %dma_wait3A_96 = tpu.memref_slice %arg18[%add3A_68, %dma_wait3A_95] : memref<10240x64xf32, #tpu.memory_space<vmem_shared>> -> memref<128x64xf32, #tpu.memory_space<vmem_shared>>
      tpu.wait_dma2 semaphore(%run_scoped3A : memref<!tpu.dma_semaphore, #tpu.memory_space<semaphore_mem>>) src(%arg14 : memref<128x64xf32, #tpu.memory_space<vmem>>) dst(%dma_wait3A_96 : memref<128x64xf32, #tpu.memory_space<vmem_shared>>)
      tpu.yield
    }) : () -> ()
    %mul3A_69 = arith.constant 640 : i32
    %mul3A_70 = arith.muli %arg1, %mul3A_69 : i32
    %add3A_71 = arith.constant 512 : i32
    %add3A_72 = arith.addi %mul3A_70, %add3A_71 : i32
    "tpu.region"() ({
      %run_scoped3A = tpu.sem_alloc : memref<!tpu.dma_semaphore, #tpu.memory_space<semaphore_mem>>
      %dma_start3A = arith.constant 0 : i32
      %dma_start3A_91 = tpu.memref_slice %arg18[%add3A_72, %dma_start3A] : memref<10240x64xf32, #tpu.memory_space<vmem_shared>> -> memref<128x64xf32, #tpu.memory_space<vmem_shared>>
      %dma_start3A_92 = arith.constant 0 : i32
      %dma_start3A_93 = tpu.memref_slice %arg18[%add3A_72, %dma_start3A_92] : memref<10240x64xf32, #tpu.memory_space<vmem_shared>> -> memref<128x64xf32, #tpu.memory_space<vmem_shared>>
      tpu.enqueue_dma source(%arg14 : memref<128x64xf32, #tpu.memory_space<vmem>>) target(%dma_start3A_93 : memref<128x64xf32, #tpu.memory_space<vmem_shared>>) target_semaphore(%run_scoped3A : memref<!tpu.dma_semaphore, #tpu.memory_space<semaphore_mem>>)
      %dma_wait3A = arith.constant 0 : i32
      %dma_wait3A_94 = tpu.memref_slice %arg18[%add3A_72, %dma_wait3A] : memref<10240x64xf32, #tpu.memory_space<vmem_shared>> -> memref<128x64xf32, #tpu.memory_space<vmem_shared>>
      %dma_wait3A_95 = arith.constant 0 : i32
      %dma_wait3A_96 = tpu.memref_slice %arg18[%add3A_72, %dma_wait3A_95] : memref<10240x64xf32, #tpu.memory_space<vmem_shared>> -> memref<128x64xf32, #tpu.memory_space<vmem_shared>>
      tpu.wait_dma2 semaphore(%run_scoped3A : memref<!tpu.dma_semaphore, #tpu.memory_space<semaphore_mem>>) src(%arg14 : memref<128x64xf32, #tpu.memory_space<vmem>>) dst(%dma_wait3A_96 : memref<128x64xf32, #tpu.memory_space<vmem_shared>>)
      tpu.yield
    }) : () -> ()
    %mul3A_73 = arith.constant 640 : i32
    %mul3A_74 = arith.muli %arg1, %mul3A_73 : i32
    "tpu.region"() ({
      %run_scoped3A = tpu.sem_alloc : memref<!tpu.dma_semaphore, #tpu.memory_space<semaphore_mem>>
      %dma_start3A = tpu.memref_slice %arg19[%mul3A_74] : memref<10240xf32, #tpu.memory_space<vmem_shared>> -> memref<640xf32, #tpu.memory_space<vmem_shared>>
      %dma_start3A_91 = tpu.memref_slice %arg19[%mul3A_74] : memref<10240xf32, #tpu.memory_space<vmem_shared>> -> memref<640xf32, #tpu.memory_space<vmem_shared>>
      tpu.enqueue_dma source(%arg13 : memref<640xf32, #tpu.memory_space<vmem>>) target(%dma_start3A_91 : memref<640xf32, #tpu.memory_space<vmem_shared>>) target_semaphore(%run_scoped3A : memref<!tpu.dma_semaphore, #tpu.memory_space<semaphore_mem>>)
      %dma_wait3A = tpu.memref_slice %arg19[%mul3A_74] : memref<10240xf32, #tpu.memory_space<vmem_shared>> -> memref<640xf32, #tpu.memory_space<vmem_shared>>
      %dma_wait3A_92 = tpu.memref_slice %arg19[%mul3A_74] : memref<10240xf32, #tpu.memory_space<vmem_shared>> -> memref<640xf32, #tpu.memory_space<vmem_shared>>
      tpu.wait_dma2 semaphore(%run_scoped3A : memref<!tpu.dma_semaphore, #tpu.memory_space<semaphore_mem>>) src(%arg13 : memref<640xf32, #tpu.memory_space<vmem>>) dst(%dma_wait3A_92 : memref<640xf32, #tpu.memory_space<vmem_shared>>)
      tpu.yield
    }) : () -> ()
    %barrier3A = arith.constant 0 : index
    tpu.barrier barrier_id(%barrier3A)
    "tpu.region"() ({
      %run_scoped3A = tpu.sem_alloc : memref<!tpu.dma_semaphore, #tpu.memory_space<semaphore_mem>>
      %dma_start3A = arith.constant 0 : i32
      %dma_start3A_91 = arith.constant 0 : i32
      %dma_start3A_92 = tpu.memref_slice %arg4[%arg1, %dma_start3A, %dma_start3A_91] : memref<16x160x125xi32, #tpu.memory_space<hbm>> -> memref<1x160x125xi32, #tpu.memory_space<hbm>>
      %dma_start3A_93 = tpu.memref_squeeze %dma_start3A_92 : memref<1x160x125xi32, #tpu.memory_space<hbm>> -> memref<160x125xi32, #tpu.memory_space<hbm>>
      %dma_start3A_94 = arith.constant 0 : i32
      %dma_start3A_95 = arith.constant 0 : i32
      %dma_start3A_96 = tpu.memref_slice %arg4[%arg1, %dma_start3A_94, %dma_start3A_95] : memref<16x160x125xi32, #tpu.memory_space<hbm>> -> memref<1x160x125xi32, #tpu.memory_space<hbm>>
      %dma_start3A_97 = tpu.memref_squeeze %dma_start3A_96 : memref<1x160x125xi32, #tpu.memory_space<hbm>> -> memref<160x125xi32, #tpu.memory_space<hbm>>
      tpu.enqueue_dma source(%dma_start3A_97 : memref<160x125xi32, #tpu.memory_space<hbm>>) target(%arg8 : memref<160x125xi32, #tpu.memory_space<vmem>>) target_semaphore(%run_scoped3A : memref<!tpu.dma_semaphore, #tpu.memory_space<semaphore_mem>>)
      %dma_wait3A = arith.constant 0 : i32
      %dma_wait3A_98 = arith.constant 0 : i32
      %dma_wait3A_99 = tpu.memref_slice %arg4[%arg1, %dma_wait3A, %dma_wait3A_98] : memref<16x160x125xi32, #tpu.memory_space<hbm>> -> memref<1x160x125xi32, #tpu.memory_space<hbm>>
      %dma_wait3A_100 = tpu.memref_squeeze %dma_wait3A_99 : memref<1x160x125xi32, #tpu.memory_space<hbm>> -> memref<160x125xi32, #tpu.memory_space<hbm>>
      %dma_wait3A_101 = arith.constant 0 : i32
      %dma_wait3A_102 = arith.constant 0 : i32
      %dma_wait3A_103 = tpu.memref_slice %arg4[%arg1, %dma_wait3A_101, %dma_wait3A_102] : memref<16x160x125xi32, #tpu.memory_space<hbm>> -> memref<1x160x125xi32, #tpu.memory_space<hbm>>
      %dma_wait3A_104 = tpu.memref_squeeze %dma_wait3A_103 : memref<1x160x125xi32, #tpu.memory_space<hbm>> -> memref<160x125xi32, #tpu.memory_space<hbm>>
      tpu.wait_dma2 semaphore(%run_scoped3A : memref<!tpu.dma_semaphore, #tpu.memory_space<semaphore_mem>>) src(%dma_wait3A_104 : memref<160x125xi32, #tpu.memory_space<hbm>>) dst(%arg8 : memref<160x125xi32, #tpu.memory_space<vmem>>)
      tpu.yield
    }) : () -> ()
    "tpu.region"() ({
      %run_scoped3A = tpu.sem_alloc : memref<!tpu.dma_semaphore, #tpu.memory_space<semaphore_mem>>
      %dma_start3A = arith.constant 0 : i32
      %dma_start3A_91 = arith.constant 0 : i32
      %dma_start3A_92 = tpu.memref_slice %arg5[%arg1, %dma_start3A, %dma_start3A_91] : memref<16x160x125xi32, #tpu.memory_space<hbm>> -> memref<1x160x125xi32, #tpu.memory_space<hbm>>
      %dma_start3A_93 = tpu.memref_squeeze %dma_start3A_92 : memref<1x160x125xi32, #tpu.memory_space<hbm>> -> memref<160x125xi32, #tpu.memory_space<hbm>>
      %dma_start3A_94 = arith.constant 0 : i32
      %dma_start3A_95 = arith.constant 0 : i32
      %dma_start3A_96 = tpu.memref_slice %arg5[%arg1, %dma_start3A_94, %dma_start3A_95] : memref<16x160x125xi32, #tpu.memory_space<hbm>> -> memref<1x160x125xi32, #tpu.memory_space<hbm>>
      %dma_start3A_97 = tpu.memref_squeeze %dma_start3A_96 : memref<1x160x125xi32, #tpu.memory_space<hbm>> -> memref<160x125xi32, #tpu.memory_space<hbm>>
      tpu.enqueue_dma source(%dma_start3A_97 : memref<160x125xi32, #tpu.memory_space<hbm>>) target(%arg9 : memref<160x125xi32, #tpu.memory_space<vmem>>) target_semaphore(%run_scoped3A : memref<!tpu.dma_semaphore, #tpu.memory_space<semaphore_mem>>)
      %dma_wait3A = arith.constant 0 : i32
      %dma_wait3A_98 = arith.constant 0 : i32
      %dma_wait3A_99 = tpu.memref_slice %arg5[%arg1, %dma_wait3A, %dma_wait3A_98] : memref<16x160x125xi32, #tpu.memory_space<hbm>> -> memref<1x160x125xi32, #tpu.memory_space<hbm>>
      %dma_wait3A_100 = tpu.memref_squeeze %dma_wait3A_99 : memref<1x160x125xi32, #tpu.memory_space<hbm>> -> memref<160x125xi32, #tpu.memory_space<hbm>>
      %dma_wait3A_101 = arith.constant 0 : i32
      %dma_wait3A_102 = arith.constant 0 : i32
      %dma_wait3A_103 = tpu.memref_slice %arg5[%arg1, %dma_wait3A_101, %dma_wait3A_102] : memref<16x160x125xi32, #tpu.memory_space<hbm>> -> memref<1x160x125xi32, #tpu.memory_space<hbm>>
      %dma_wait3A_104 = tpu.memref_squeeze %dma_wait3A_103 : memref<1x160x125xi32, #tpu.memory_space<hbm>> -> memref<160x125xi32, #tpu.memory_space<hbm>>
      tpu.wait_dma2 semaphore(%run_scoped3A : memref<!tpu.dma_semaphore, #tpu.memory_space<semaphore_mem>>) src(%dma_wait3A_104 : memref<160x125xi32, #tpu.memory_space<hbm>>) dst(%arg9 : memref<160x125xi32, #tpu.memory_space<vmem>>)
      tpu.yield
    }) : () -> ()
    %eq3A = arith.constant 0 : i32
    %eq3A_75 = arith.cmpi eq, %arg0, %eq3A : i32
    %convert_element_type3A = arith.extui %eq3A_75 : i1 to i32
    %cond3A = arith.constant 0 : i32
    %cond3A_76 = arith.cmpi ne, %convert_element_type3A, %cond3A : i32
    scf.if %cond3A_76 {
      %dma_start3A = arith.constant 0 : i32
      %dma_start3A_91 = arith.constant 0 : i32
      %dma_start3A_92 = tpu.memref_slice %arg8[%dma_start3A, %dma_start3A_91] : memref<160x125xi32, #tpu.memory_space<vmem>> -> memref<1x125xi32, #tpu.memory_space<vmem>>
      %dma_start3A_93 = tpu.memref_squeeze %dma_start3A_92 : memref<1x125xi32, #tpu.memory_space<vmem>> -> memref<125xi32, #tpu.memory_space<vmem>>
      %dma_start3A_94 = arith.constant 0 : i32
      %dma_start3A_95 = arith.constant 0 : i32
      %dma_start3A_96 = tpu.memref_slice %arg2[%dma_start3A_94, %dma_start3A_95] : memref<10000x64xf32, #tpu.memory_space<hbm>> -> memref<10000x64xf32, #tpu.memory_space<hbm>>
      tpu.enqueue_indirect_dma source(%dma_start3A_96 : memref<10000x64xf32, #tpu.memory_space<hbm>>) target(%arg10 : memref<125x64xf32, #tpu.memory_space<vmem>>) offsets(%dma_start3A_93 : memref<125xi32, #tpu.memory_space<vmem>>) semaphore(%arg15 : memref<!tpu.dma_semaphore, #tpu.memory_space<semaphore_mem>>)
      %scan3A_97 = arith.constant 0 : i32
      %scan3A_98 = arith.constant 80 : i32
      %scan3A_99 = arith.addi %scan3A_97, %scan3A_98 : i32
      %scan3A_100 = arith.constant 1 : i32
      scf.for %scan3A_102 = %scan3A_97 to %scan3A_99 step %scan3A_100  : i32 {
        %mul3A_103 = arith.constant 1 : i32
        %mul3A_104 = arith.muli %scan3A_102, %mul3A_103 : i32
        %add3A_105 = arith.constant 0 : i32
        %add3A_106 = arith.addi %add3A_105, %mul3A_104 : i32
        %mul3A_107 = arith.constant 2 : i32
        %mul3A_108 = arith.muli %mul3A_107, %add3A_106 : i32
        %lt3A = arith.constant 40 : i32
        %lt3A_109 = arith.cmpi slt, %add3A_106, %lt3A : i32
        %add3A_110 = arith.constant 1 : i32
        %add3A_111 = arith.addi %mul3A_108, %add3A_110 : i32
        %dma_start3A_112 = arith.constant 0 : i32
        %dma_start3A_113 = tpu.memref_slice %arg8[%add3A_111, %dma_start3A_112] : memref<160x125xi32, #tpu.memory_space<vmem>> -> memref<1x125xi32, #tpu.memory_space<vmem>>
        %dma_start3A_114 = tpu.memref_squeeze %dma_start3A_113 : memref<1x125xi32, #tpu.memory_space<vmem>> -> memref<125xi32, #tpu.memory_space<vmem>>
        %dma_start3A_115 = arith.constant 0 : i32
        %dma_start3A_116 = arith.constant 0 : i32
        %dma_start3A_117 = tpu.memref_slice %arg2[%dma_start3A_115, %dma_start3A_116] : memref<10000x64xf32, #tpu.memory_space<hbm>> -> memref<10000x64xf32, #tpu.memory_space<hbm>>
        tpu.enqueue_indirect_dma source(%dma_start3A_117 : memref<10000x64xf32, #tpu.memory_space<hbm>>) target(%arg11 : memref<125x64xf32, #tpu.memory_space<vmem>>) offsets(%dma_start3A_114 : memref<125xi32, #tpu.memory_space<vmem>>) semaphore(%arg16 : memref<!tpu.dma_semaphore, #tpu.memory_space<semaphore_mem>>)
        %dma_wait3A = arith.constant 0 : i32
        %dma_wait3A_118 = tpu.memref_slice %arg8[%mul3A_108, %dma_wait3A] : memref<160x125xi32, #tpu.memory_space<vmem>> -> memref<1x125xi32, #tpu.memory_space<vmem>>
        %dma_wait3A_119 = tpu.memref_squeeze %dma_wait3A_118 : memref<1x125xi32, #tpu.memory_space<vmem>> -> memref<125xi32, #tpu.memory_space<vmem>>
        %dma_wait3A_120 = arith.constant 0 : i32
        %dma_wait3A_121 = arith.constant 0 : i32
        %dma_wait3A_122 = tpu.memref_slice %arg2[%dma_wait3A_120, %dma_wait3A_121] : memref<10000x64xf32, #tpu.memory_space<hbm>> -> memref<10000x64xf32, #tpu.memory_space<hbm>>
        tpu.wait_indirect_dma semaphore(%arg15 : memref<!tpu.dma_semaphore, #tpu.memory_space<semaphore_mem>>) src(%dma_wait3A_122 : memref<10000x64xf32, #tpu.memory_space<hbm>>) dst(%arg10 : memref<125x64xf32, #tpu.memory_space<vmem>>)
        %convert_element_type3A_123 = arith.extui %lt3A_109 : i1 to i32
        %cond3A_124 = arith.constant 0 : i32
        %cond3A_125 = arith.cmpi ne, %convert_element_type3A_123, %cond3A_124 : i32
        scf.if %cond3A_125 {
          %dma_start3A_149 = arith.constant 0 : i32
          %dma_start3A_150 = tpu.memref_slice %arg12[%dma_start3A_149] : memref<128xf32, #tpu.memory_space<vmem>> -> memref<125xf32, #tpu.memory_space<vmem>>
          %dma_start3A_151 = arith.constant 0 : i32
          %dma_start3A_152 = tpu.memref_slice %arg9[%mul3A_108, %dma_start3A_151] : memref<160x125xi32, #tpu.memory_space<vmem>> -> memref<1x125xi32, #tpu.memory_space<vmem>>
          %dma_start3A_153 = tpu.memref_squeeze %dma_start3A_152 : memref<1x125xi32, #tpu.memory_space<vmem>> -> memref<125xi32, #tpu.memory_space<vmem>>
          %dma_start3A_154 = arith.constant 0 : i32
          %dma_start3A_155 = tpu.memref_slice %arg19[%dma_start3A_154] : memref<10240xf32, #tpu.memory_space<vmem_shared>> -> memref<10240xf32, #tpu.memory_space<vmem_shared>>
          tpu.enqueue_indirect_dma source(%dma_start3A_150 : memref<125xf32, #tpu.memory_space<vmem>>) target(%dma_start3A_155 : memref<10240xf32, #tpu.memory_space<vmem_shared>>) offsets(%dma_start3A_153 : memref<125xi32, #tpu.memory_space<vmem>>) semaphore(%arg17 : memref<!tpu.dma_semaphore, #tpu.memory_space<semaphore_mem>>) {add = true}
          "tpu.region"() ({
            %run_scoped3A = tpu.sem_alloc : memref<!tpu.dma_semaphore, #tpu.memory_space<semaphore_mem>>
            %dma_start3A_163 = arith.constant 0 : i32
            %dma_start3A_164 = tpu.memref_slice %arg9[%mul3A_108, %dma_start3A_163] : memref<160x125xi32, #tpu.memory_space<vmem>> -> memref<1x125xi32, #tpu.memory_space<vmem>>
            %dma_start3A_165 = tpu.memref_squeeze %dma_start3A_164 : memref<1x125xi32, #tpu.memory_space<vmem>> -> memref<125xi32, #tpu.memory_space<vmem>>
            %dma_start3A_166 = arith.constant 0 : i32
            %dma_start3A_167 = arith.constant 0 : i32
            %dma_start3A_168 = tpu.memref_slice %arg18[%dma_start3A_166, %dma_start3A_167] : memref<10240x64xf32, #tpu.memory_space<vmem_shared>> -> memref<10240x64xf32, #tpu.memory_space<vmem_shared>>
            tpu.enqueue_indirect_dma source(%arg10 : memref<125x64xf32, #tpu.memory_space<vmem>>) target(%dma_start3A_168 : memref<10240x64xf32, #tpu.memory_space<vmem_shared>>) offsets(%dma_start3A_165 : memref<125xi32, #tpu.memory_space<vmem>>) semaphore(%run_scoped3A : memref<!tpu.dma_semaphore, #tpu.memory_space<semaphore_mem>>) {add = true}
            %dma_wait3A_169 = arith.constant 0 : i32
            %dma_wait3A_170 = tpu.memref_slice %arg9[%mul3A_108, %dma_wait3A_169] : memref<160x125xi32, #tpu.memory_space<vmem>> -> memref<1x125xi32, #tpu.memory_space<vmem>>
            %dma_wait3A_171 = tpu.memref_squeeze %dma_wait3A_170 : memref<1x125xi32, #tpu.memory_space<vmem>> -> memref<125xi32, #tpu.memory_space<vmem>>
            %dma_wait3A_172 = arith.constant 0 : i32
            %dma_wait3A_173 = arith.constant 0 : i32
            %dma_wait3A_174 = tpu.memref_slice %arg18[%dma_wait3A_172, %dma_wait3A_173] : memref<10240x64xf32, #tpu.memory_space<vmem_shared>> -> memref<10240x64xf32, #tpu.memory_space<vmem_shared>>
            tpu.wait_indirect_dma semaphore(%run_scoped3A : memref<!tpu.dma_semaphore, #tpu.memory_space<semaphore_mem>>) src(%arg10 : memref<125x64xf32, #tpu.memory_space<vmem>>) dst(%dma_wait3A_174 : memref<10240x64xf32, #tpu.memory_space<vmem_shared>>)
            tpu.yield
          }) : () -> ()
          %dma_wait3A_156 = arith.constant 0 : i32
          %dma_wait3A_157 = tpu.memref_slice %arg12[%dma_wait3A_156] : memref<128xf32, #tpu.memory_space<vmem>> -> memref<125xf32, #tpu.memory_space<vmem>>
          %dma_wait3A_158 = arith.constant 0 : i32
          %dma_wait3A_159 = tpu.memref_slice %arg9[%mul3A_108, %dma_wait3A_158] : memref<160x125xi32, #tpu.memory_space<vmem>> -> memref<1x125xi32, #tpu.memory_space<vmem>>
          %dma_wait3A_160 = tpu.memref_squeeze %dma_wait3A_159 : memref<1x125xi32, #tpu.memory_space<vmem>> -> memref<125xi32, #tpu.memory_space<vmem>>
          %dma_wait3A_161 = arith.constant 0 : i32
          %dma_wait3A_162 = tpu.memref_slice %arg19[%dma_wait3A_161] : memref<10240xf32, #tpu.memory_space<vmem_shared>> -> memref<10240xf32, #tpu.memory_space<vmem_shared>>
          tpu.wait_indirect_dma semaphore(%arg17 : memref<!tpu.dma_semaphore, #tpu.memory_space<semaphore_mem>>) src(%dma_wait3A_157 : memref<125xf32, #tpu.memory_space<vmem>>) dst(%dma_wait3A_162 : memref<10240xf32, #tpu.memory_space<vmem_shared>>)
        } else {
        }
        %not3A = arith.constant true
        %not3A_126 = arith.xori %lt3A_109, %not3A : i1
        %convert_element_type3A_127 = arith.extui %not3A_126 : i1 to i32
        %cond3A_128 = arith.constant 0 : i32
        %cond3A_129 = arith.cmpi ne, %convert_element_type3A_127, %cond3A_128 : i32
        scf.if %cond3A_129 {
          "tpu.region"() ({
            %run_scoped3A = tpu.sem_alloc : memref<!tpu.dma_semaphore, #tpu.memory_space<semaphore_mem>>
            %dma_start3A_149 = arith.constant 0 : i32
            %dma_start3A_150 = tpu.memref_slice %arg9[%mul3A_108, %dma_start3A_149] : memref<160x125xi32, #tpu.memory_space<vmem>> -> memref<1x125xi32, #tpu.memory_space<vmem>>
            %dma_start3A_151 = tpu.memref_squeeze %dma_start3A_150 : memref<1x125xi32, #tpu.memory_space<vmem>> -> memref<125xi32, #tpu.memory_space<vmem>>
            %dma_start3A_152 = arith.constant 0 : i32
            %dma_start3A_153 = arith.constant 0 : i32
            %dma_start3A_154 = tpu.memref_slice %arg18[%dma_start3A_152, %dma_start3A_153] : memref<10240x64xf32, #tpu.memory_space<vmem_shared>> -> memref<10240x64xf32, #tpu.memory_space<vmem_shared>>
            tpu.enqueue_indirect_dma source(%arg10 : memref<125x64xf32, #tpu.memory_space<vmem>>) target(%dma_start3A_154 : memref<10240x64xf32, #tpu.memory_space<vmem_shared>>) offsets(%dma_start3A_151 : memref<125xi32, #tpu.memory_space<vmem>>) semaphore(%run_scoped3A : memref<!tpu.dma_semaphore, #tpu.memory_space<semaphore_mem>>) {add = true}
            %dma_wait3A_155 = arith.constant 0 : i32
            %dma_wait3A_156 = tpu.memref_slice %arg9[%mul3A_108, %dma_wait3A_155] : memref<160x125xi32, #tpu.memory_space<vmem>> -> memref<1x125xi32, #tpu.memory_space<vmem>>
            %dma_wait3A_157 = tpu.memref_squeeze %dma_wait3A_156 : memref<1x125xi32, #tpu.memory_space<vmem>> -> memref<125xi32, #tpu.memory_space<vmem>>
            %dma_wait3A_158 = arith.constant 0 : i32
            %dma_wait3A_159 = arith.constant 0 : i32
            %dma_wait3A_160 = tpu.memref_slice %arg18[%dma_wait3A_158, %dma_wait3A_159] : memref<10240x64xf32, #tpu.memory_space<vmem_shared>> -> memref<10240x64xf32, #tpu.memory_space<vmem_shared>>
            tpu.wait_indirect_dma semaphore(%run_scoped3A : memref<!tpu.dma_semaphore, #tpu.memory_space<semaphore_mem>>) src(%arg10 : memref<125x64xf32, #tpu.memory_space<vmem>>) dst(%dma_wait3A_160 : memref<10240x64xf32, #tpu.memory_space<vmem_shared>>)
            tpu.yield
          }) : () -> ()
        } else {
        }
        %lt3A_130 = arith.constant 79 : i32
        %lt3A_131 = arith.cmpi slt, %add3A_106, %lt3A_130 : i32
        %convert_element_type3A_132 = arith.extui %lt3A_131 : i1 to i32
        %cond3A_133 = arith.constant 0 : i32
        %cond3A_134 = arith.cmpi ne, %convert_element_type3A_132, %cond3A_133 : i32
        scf.if %cond3A_134 {
          %add3A_149 = arith.constant 2 : i32
          %add3A_150 = arith.addi %mul3A_108, %add3A_149 : i32
          %dma_start3A_151 = arith.constant 0 : i32
          %dma_start3A_152 = tpu.memref_slice %arg8[%add3A_150, %dma_start3A_151] : memref<160x125xi32, #tpu.memory_space<vmem>> -> memref<1x125xi32, #tpu.memory_space<vmem>>
          %dma_start3A_153 = tpu.memref_squeeze %dma_start3A_152 : memref<1x125xi32, #tpu.memory_space<vmem>> -> memref<125xi32, #tpu.memory_space<vmem>>
          %dma_start3A_154 = arith.constant 0 : i32
          %dma_start3A_155 = arith.constant 0 : i32
          %dma_start3A_156 = tpu.memref_slice %arg2[%dma_start3A_154, %dma_start3A_155] : memref<10000x64xf32, #tpu.memory_space<hbm>> -> memref<10000x64xf32, #tpu.memory_space<hbm>>
          tpu.enqueue_indirect_dma source(%dma_start3A_156 : memref<10000x64xf32, #tpu.memory_space<hbm>>) target(%arg10 : memref<125x64xf32, #tpu.memory_space<vmem>>) offsets(%dma_start3A_153 : memref<125xi32, #tpu.memory_space<vmem>>) semaphore(%arg15 : memref<!tpu.dma_semaphore, #tpu.memory_space<semaphore_mem>>)
        } else {
        }
        %dma_wait3A_135 = arith.constant 0 : i32
        %dma_wait3A_136 = tpu.memref_slice %arg8[%add3A_111, %dma_wait3A_135] : memref<160x125xi32, #tpu.memory_space<vmem>> -> memref<1x125xi32, #tpu.memory_space<vmem>>
        %dma_wait3A_137 = tpu.memref_squeeze %dma_wait3A_136 : memref<1x125xi32, #tpu.memory_space<vmem>> -> memref<125xi32, #tpu.memory_space<vmem>>
        %dma_wait3A_138 = arith.constant 0 : i32
        %dma_wait3A_139 = arith.constant 0 : i32
        %dma_wait3A_140 = tpu.memref_slice %arg2[%dma_wait3A_138, %dma_wait3A_139] : memref<10000x64xf32, #tpu.memory_space<hbm>> -> memref<10000x64xf32, #tpu.memory_space<hbm>>
        tpu.wait_indirect_dma semaphore(%arg16 : memref<!tpu.dma_semaphore, #tpu.memory_space<semaphore_mem>>) src(%dma_wait3A_140 : memref<10000x64xf32, #tpu.memory_space<hbm>>) dst(%arg11 : memref<125x64xf32, #tpu.memory_space<vmem>>)
        %convert_element_type3A_141 = arith.extui %lt3A_109 : i1 to i32
        %cond3A_142 = arith.constant 0 : i32
        %cond3A_143 = arith.cmpi ne, %convert_element_type3A_141, %cond3A_142 : i32
        scf.if %cond3A_143 {
          %add3A_149 = arith.constant 1 : i32
          %add3A_150 = arith.addi %mul3A_108, %add3A_149 : i32
          %dma_start3A_151 = arith.constant 0 : i32
          %dma_start3A_152 = tpu.memref_slice %arg12[%dma_start3A_151] : memref<128xf32, #tpu.memory_space<vmem>> -> memref<125xf32, #tpu.memory_space<vmem>>
          %dma_start3A_153 = arith.constant 0 : i32
          %dma_start3A_154 = tpu.memref_slice %arg9[%add3A_150, %dma_start3A_153] : memref<160x125xi32, #tpu.memory_space<vmem>> -> memref<1x125xi32, #tpu.memory_space<vmem>>
          %dma_start3A_155 = tpu.memref_squeeze %dma_start3A_154 : memref<1x125xi32, #tpu.memory_space<vmem>> -> memref<125xi32, #tpu.memory_space<vmem>>
          %dma_start3A_156 = arith.constant 0 : i32
          %dma_start3A_157 = tpu.memref_slice %arg19[%dma_start3A_156] : memref<10240xf32, #tpu.memory_space<vmem_shared>> -> memref<10240xf32, #tpu.memory_space<vmem_shared>>
          tpu.enqueue_indirect_dma source(%dma_start3A_152 : memref<125xf32, #tpu.memory_space<vmem>>) target(%dma_start3A_157 : memref<10240xf32, #tpu.memory_space<vmem_shared>>) offsets(%dma_start3A_155 : memref<125xi32, #tpu.memory_space<vmem>>) semaphore(%arg17 : memref<!tpu.dma_semaphore, #tpu.memory_space<semaphore_mem>>) {add = true}
          %add3A_158 = arith.constant 1 : i32
          %add3A_159 = arith.addi %mul3A_108, %add3A_158 : i32
          "tpu.region"() ({
            %run_scoped3A = tpu.sem_alloc : memref<!tpu.dma_semaphore, #tpu.memory_space<semaphore_mem>>
            %dma_start3A_167 = arith.constant 0 : i32
            %dma_start3A_168 = tpu.memref_slice %arg9[%add3A_159, %dma_start3A_167] : memref<160x125xi32, #tpu.memory_space<vmem>> -> memref<1x125xi32, #tpu.memory_space<vmem>>
            %dma_start3A_169 = tpu.memref_squeeze %dma_start3A_168 : memref<1x125xi32, #tpu.memory_space<vmem>> -> memref<125xi32, #tpu.memory_space<vmem>>
            %dma_start3A_170 = arith.constant 0 : i32
            %dma_start3A_171 = arith.constant 0 : i32
            %dma_start3A_172 = tpu.memref_slice %arg18[%dma_start3A_170, %dma_start3A_171] : memref<10240x64xf32, #tpu.memory_space<vmem_shared>> -> memref<10240x64xf32, #tpu.memory_space<vmem_shared>>
            tpu.enqueue_indirect_dma source(%arg11 : memref<125x64xf32, #tpu.memory_space<vmem>>) target(%dma_start3A_172 : memref<10240x64xf32, #tpu.memory_space<vmem_shared>>) offsets(%dma_start3A_169 : memref<125xi32, #tpu.memory_space<vmem>>) semaphore(%run_scoped3A : memref<!tpu.dma_semaphore, #tpu.memory_space<semaphore_mem>>) {add = true}
            %dma_wait3A_173 = arith.constant 0 : i32
            %dma_wait3A_174 = tpu.memref_slice %arg9[%add3A_159, %dma_wait3A_173] : memref<160x125xi32, #tpu.memory_space<vmem>> -> memref<1x125xi32, #tpu.memory_space<vmem>>
            %dma_wait3A_175 = tpu.memref_squeeze %dma_wait3A_174 : memref<1x125xi32, #tpu.memory_space<vmem>> -> memref<125xi32, #tpu.memory_space<vmem>>
            %dma_wait3A_176 = arith.constant 0 : i32
            %dma_wait3A_177 = arith.constant 0 : i32
            %dma_wait3A_178 = tpu.memref_slice %arg18[%dma_wait3A_176, %dma_wait3A_177] : memref<10240x64xf32, #tpu.memory_space<vmem_shared>> -> memref<10240x64xf32, #tpu.memory_space<vmem_shared>>
            tpu.wait_indirect_dma semaphore(%run_scoped3A : memref<!tpu.dma_semaphore, #tpu.memory_space<semaphore_mem>>) src(%arg11 : memref<125x64xf32, #tpu.memory_space<vmem>>) dst(%dma_wait3A_178 : memref<10240x64xf32, #tpu.memory_space<vmem_shared>>)
            tpu.yield
          }) : () -> ()
          %dma_wait3A_160 = arith.constant 0 : i32
          %dma_wait3A_161 = tpu.memref_slice %arg12[%dma_wait3A_160] : memref<128xf32, #tpu.memory_space<vmem>> -> memref<125xf32, #tpu.memory_space<vmem>>
          %dma_wait3A_162 = arith.constant 0 : i32
          %dma_wait3A_163 = tpu.memref_slice %arg9[%add3A_150, %dma_wait3A_162] : memref<160x125xi32, #tpu.memory_space<vmem>> -> memref<1x125xi32, #tpu.memory_space<vmem>>
          %dma_wait3A_164 = tpu.memref_squeeze %dma_wait3A_163 : memref<1x125xi32, #tpu.memory_space<vmem>> -> memref<125xi32, #tpu.memory_space<vmem>>
          %dma_wait3A_165 = arith.constant 0 : i32
          %dma_wait3A_166 = tpu.memref_slice %arg19[%dma_wait3A_165] : memref<10240xf32, #tpu.memory_space<vmem_shared>> -> memref<10240xf32, #tpu.memory_space<vmem_shared>>
          tpu.wait_indirect_dma semaphore(%arg17 : memref<!tpu.dma_semaphore, #tpu.memory_space<semaphore_mem>>) src(%dma_wait3A_161 : memref<125xf32, #tpu.memory_space<vmem>>) dst(%dma_wait3A_166 : memref<10240xf32, #tpu.memory_space<vmem_shared>>)
        } else {
        }
        %not3A_144 = arith.constant true
        %not3A_145 = arith.xori %lt3A_109, %not3A_144 : i1
        %convert_element_type3A_146 = arith.extui %not3A_145 : i1 to i32
        %cond3A_147 = arith.constant 0 : i32
        %cond3A_148 = arith.cmpi ne, %convert_element_type3A_146, %cond3A_147 : i32
        scf.if %cond3A_148 {
          %add3A_149 = arith.constant 1 : i32
          %add3A_150 = arith.addi %mul3A_108, %add3A_149 : i32
          "tpu.region"() ({
            %run_scoped3A = tpu.sem_alloc : memref<!tpu.dma_semaphore, #tpu.memory_space<semaphore_mem>>
            %dma_start3A_151 = arith.constant 0 : i32
            %dma_start3A_152 = tpu.memref_slice %arg9[%add3A_150, %dma_start3A_151] : memref<160x125xi32, #tpu.memory_space<vmem>> -> memref<1x125xi32, #tpu.memory_space<vmem>>
            %dma_start3A_153 = tpu.memref_squeeze %dma_start3A_152 : memref<1x125xi32, #tpu.memory_space<vmem>> -> memref<125xi32, #tpu.memory_space<vmem>>
            %dma_start3A_154 = arith.constant 0 : i32
            %dma_start3A_155 = arith.constant 0 : i32
            %dma_start3A_156 = tpu.memref_slice %arg18[%dma_start3A_154, %dma_start3A_155] : memref<10240x64xf32, #tpu.memory_space<vmem_shared>> -> memref<10240x64xf32, #tpu.memory_space<vmem_shared>>
            tpu.enqueue_indirect_dma source(%arg11 : memref<125x64xf32, #tpu.memory_space<vmem>>) target(%dma_start3A_156 : memref<10240x64xf32, #tpu.memory_space<vmem_shared>>) offsets(%dma_start3A_153 : memref<125xi32, #tpu.memory_space<vmem>>) semaphore(%run_scoped3A : memref<!tpu.dma_semaphore, #tpu.memory_space<semaphore_mem>>) {add = true}
            %dma_wait3A_157 = arith.constant 0 : i32
            %dma_wait3A_158 = tpu.memref_slice %arg9[%add3A_150, %dma_wait3A_157] : memref<160x125xi32, #tpu.memory_space<vmem>> -> memref<1x125xi32, #tpu.memory_space<vmem>>
            %dma_wait3A_159 = tpu.memref_squeeze %dma_wait3A_158 : memref<1x125xi32, #tpu.memory_space<vmem>> -> memref<125xi32, #tpu.memory_space<vmem>>
            %dma_wait3A_160 = arith.constant 0 : i32
            %dma_wait3A_161 = arith.constant 0 : i32
            %dma_wait3A_162 = tpu.memref_slice %arg18[%dma_wait3A_160, %dma_wait3A_161] : memref<10240x64xf32, #tpu.memory_space<vmem_shared>> -> memref<10240x64xf32, #tpu.memory_space<vmem_shared>>
            tpu.wait_indirect_dma semaphore(%run_scoped3A : memref<!tpu.dma_semaphore, #tpu.memory_space<semaphore_mem>>) src(%arg11 : memref<125x64xf32, #tpu.memory_space<vmem>>) dst(%dma_wait3A_162 : memref<10240x64xf32, #tpu.memory_space<vmem_shared>>)
            tpu.yield
          }) : () -> ()
        } else {
        }
      }
      %scan3A_101 = arith.constant 80 : i32
    } else {
    }
    %eq3A_77 = arith.constant 1 : i32
    %eq3A_78 = arith.cmpi eq, %arg0, %eq3A_77 : i32
    %convert_element_type3A_79 = arith.extui %eq3A_78 : i1 to i32
    %cond3A_80 = arith.constant 0 : i32
    %cond3A_81 = arith.cmpi ne, %convert_element_type3A_79, %cond3A_80 : i32
    scf.if %cond3A_81 {
      %dma_start3A = arith.constant 0 : i32
      %dma_start3A_91 = arith.constant 0 : i32
      %dma_start3A_92 = tpu.memref_slice %arg8[%dma_start3A, %dma_start3A_91] : memref<160x125xi32, #tpu.memory_space<vmem>> -> memref<1x125xi32, #tpu.memory_space<vmem>>
      %dma_start3A_93 = tpu.memref_squeeze %dma_start3A_92 : memref<1x125xi32, #tpu.memory_space<vmem>> -> memref<125xi32, #tpu.memory_space<vmem>>
      %dma_start3A_94 = arith.constant 0 : i32
      %dma_start3A_95 = arith.constant 0 : i32
      %dma_start3A_96 = tpu.memref_slice %arg3[%dma_start3A_94, %dma_start3A_95] : memref<10000x64xf32, #tpu.memory_space<hbm>> -> memref<10000x64xf32, #tpu.memory_space<hbm>>
      tpu.enqueue_indirect_dma source(%dma_start3A_96 : memref<10000x64xf32, #tpu.memory_space<hbm>>) target(%arg10 : memref<125x64xf32, #tpu.memory_space<vmem>>) offsets(%dma_start3A_93 : memref<125xi32, #tpu.memory_space<vmem>>) semaphore(%arg15 : memref<!tpu.dma_semaphore, #tpu.memory_space<semaphore_mem>>)
      %scan3A_97 = arith.constant 0 : i32
      %scan3A_98 = arith.constant 80 : i32
      %scan3A_99 = arith.addi %scan3A_97, %scan3A_98 : i32
      %scan3A_100 = arith.constant 1 : i32
      scf.for %scan3A_102 = %scan3A_97 to %scan3A_99 step %scan3A_100  : i32 {
        %mul3A_103 = arith.constant 1 : i32
        %mul3A_104 = arith.muli %scan3A_102, %mul3A_103 : i32
        %add3A_105 = arith.constant 0 : i32
        %add3A_106 = arith.addi %add3A_105, %mul3A_104 : i32
        %mul3A_107 = arith.constant 2 : i32
        %mul3A_108 = arith.muli %mul3A_107, %add3A_106 : i32
        %ge3A = arith.constant 40 : i32
        %ge3A_109 = arith.cmpi sge, %add3A_106, %ge3A : i32
        %add3A_110 = arith.constant 1 : i32
        %add3A_111 = arith.addi %mul3A_108, %add3A_110 : i32
        %dma_start3A_112 = arith.constant 0 : i32
        %dma_start3A_113 = tpu.memref_slice %arg8[%add3A_111, %dma_start3A_112] : memref<160x125xi32, #tpu.memory_space<vmem>> -> memref<1x125xi32, #tpu.memory_space<vmem>>
        %dma_start3A_114 = tpu.memref_squeeze %dma_start3A_113 : memref<1x125xi32, #tpu.memory_space<vmem>> -> memref<125xi32, #tpu.memory_space<vmem>>
        %dma_start3A_115 = arith.constant 0 : i32
        %dma_start3A_116 = arith.constant 0 : i32
        %dma_start3A_117 = tpu.memref_slice %arg3[%dma_start3A_115, %dma_start3A_116] : memref<10000x64xf32, #tpu.memory_space<hbm>> -> memref<10000x64xf32, #tpu.memory_space<hbm>>
        tpu.enqueue_indirect_dma source(%dma_start3A_117 : memref<10000x64xf32, #tpu.memory_space<hbm>>) target(%arg11 : memref<125x64xf32, #tpu.memory_space<vmem>>) offsets(%dma_start3A_114 : memref<125xi32, #tpu.memory_space<vmem>>) semaphore(%arg16 : memref<!tpu.dma_semaphore, #tpu.memory_space<semaphore_mem>>)
        %dma_wait3A = arith.constant 0 : i32
        %dma_wait3A_118 = tpu.memref_slice %arg8[%mul3A_108, %dma_wait3A] : memref<160x125xi32, #tpu.memory_space<vmem>> -> memref<1x125xi32, #tpu.memory_space<vmem>>
        %dma_wait3A_119 = tpu.memref_squeeze %dma_wait3A_118 : memref<1x125xi32, #tpu.memory_space<vmem>> -> memref<125xi32, #tpu.memory_space<vmem>>
        %dma_wait3A_120 = arith.constant 0 : i32
        %dma_wait3A_121 = arith.constant 0 : i32
        %dma_wait3A_122 = tpu.memref_slice %arg3[%dma_wait3A_120, %dma_wait3A_121] : memref<10000x64xf32, #tpu.memory_space<hbm>> -> memref<10000x64xf32, #tpu.memory_space<hbm>>
        tpu.wait_indirect_dma semaphore(%arg15 : memref<!tpu.dma_semaphore, #tpu.memory_space<semaphore_mem>>) src(%dma_wait3A_122 : memref<10000x64xf32, #tpu.memory_space<hbm>>) dst(%arg10 : memref<125x64xf32, #tpu.memory_space<vmem>>)
        %convert_element_type3A_123 = arith.extui %ge3A_109 : i1 to i32
        %cond3A_124 = arith.constant 0 : i32
        %cond3A_125 = arith.cmpi ne, %convert_element_type3A_123, %cond3A_124 : i32
        scf.if %cond3A_125 {
          %dma_start3A_148 = arith.constant 0 : i32
          %dma_start3A_149 = tpu.memref_slice %arg12[%dma_start3A_148] : memref<128xf32, #tpu.memory_space<vmem>> -> memref<125xf32, #tpu.memory_space<vmem>>
          %dma_start3A_150 = arith.constant 0 : i32
          %dma_start3A_151 = tpu.memref_slice %arg9[%mul3A_108, %dma_start3A_150] : memref<160x125xi32, #tpu.memory_space<vmem>> -> memref<1x125xi32, #tpu.memory_space<vmem>>
          %dma_start3A_152 = tpu.memref_squeeze %dma_start3A_151 : memref<1x125xi32, #tpu.memory_space<vmem>> -> memref<125xi32, #tpu.memory_space<vmem>>
          %dma_start3A_153 = arith.constant 0 : i32
          %dma_start3A_154 = tpu.memref_slice %arg19[%dma_start3A_153] : memref<10240xf32, #tpu.memory_space<vmem_shared>> -> memref<10240xf32, #tpu.memory_space<vmem_shared>>
          tpu.enqueue_indirect_dma source(%dma_start3A_149 : memref<125xf32, #tpu.memory_space<vmem>>) target(%dma_start3A_154 : memref<10240xf32, #tpu.memory_space<vmem_shared>>) offsets(%dma_start3A_152 : memref<125xi32, #tpu.memory_space<vmem>>) semaphore(%arg17 : memref<!tpu.dma_semaphore, #tpu.memory_space<semaphore_mem>>) {add = true}
          "tpu.region"() ({
            %run_scoped3A = tpu.sem_alloc : memref<!tpu.dma_semaphore, #tpu.memory_space<semaphore_mem>>
            %dma_start3A_162 = arith.constant 0 : i32
            %dma_start3A_163 = tpu.memref_slice %arg9[%mul3A_108, %dma_start3A_162] : memref<160x125xi32, #tpu.memory_space<vmem>> -> memref<1x125xi32, #tpu.memory_space<vmem>>
            %dma_start3A_164 = tpu.memref_squeeze %dma_start3A_163 : memref<1x125xi32, #tpu.memory_space<vmem>> -> memref<125xi32, #tpu.memory_space<vmem>>
            %dma_start3A_165 = arith.constant 0 : i32
            %dma_start3A_166 = arith.constant 0 : i32
            %dma_start3A_167 = tpu.memref_slice %arg18[%dma_start3A_165, %dma_start3A_166] : memref<10240x64xf32, #tpu.memory_space<vmem_shared>> -> memref<10240x64xf32, #tpu.memory_space<vmem_shared>>
            tpu.enqueue_indirect_dma source(%arg10 : memref<125x64xf32, #tpu.memory_space<vmem>>) target(%dma_start3A_167 : memref<10240x64xf32, #tpu.memory_space<vmem_shared>>) offsets(%dma_start3A_164 : memref<125xi32, #tpu.memory_space<vmem>>) semaphore(%run_scoped3A : memref<!tpu.dma_semaphore, #tpu.memory_space<semaphore_mem>>) {add = true}
            %dma_wait3A_168 = arith.constant 0 : i32
            %dma_wait3A_169 = tpu.memref_slice %arg9[%mul3A_108, %dma_wait3A_168] : memref<160x125xi32, #tpu.memory_space<vmem>> -> memref<1x125xi32, #tpu.memory_space<vmem>>
            %dma_wait3A_170 = tpu.memref_squeeze %dma_wait3A_169 : memref<1x125xi32, #tpu.memory_space<vmem>> -> memref<125xi32, #tpu.memory_space<vmem>>
            %dma_wait3A_171 = arith.constant 0 : i32
            %dma_wait3A_172 = arith.constant 0 : i32
            %dma_wait3A_173 = tpu.memref_slice %arg18[%dma_wait3A_171, %dma_wait3A_172] : memref<10240x64xf32, #tpu.memory_space<vmem_shared>> -> memref<10240x64xf32, #tpu.memory_space<vmem_shared>>
            tpu.wait_indirect_dma semaphore(%run_scoped3A : memref<!tpu.dma_semaphore, #tpu.memory_space<semaphore_mem>>) src(%arg10 : memref<125x64xf32, #tpu.memory_space<vmem>>) dst(%dma_wait3A_173 : memref<10240x64xf32, #tpu.memory_space<vmem_shared>>)
            tpu.yield
          }) : () -> ()
          %dma_wait3A_155 = arith.constant 0 : i32
          %dma_wait3A_156 = tpu.memref_slice %arg12[%dma_wait3A_155] : memref<128xf32, #tpu.memory_space<vmem>> -> memref<125xf32, #tpu.memory_space<vmem>>
          %dma_wait3A_157 = arith.constant 0 : i32
          %dma_wait3A_158 = tpu.memref_slice %arg9[%mul3A_108, %dma_wait3A_157] : memref<160x125xi32, #tpu.memory_space<vmem>> -> memref<1x125xi32, #tpu.memory_space<vmem>>
          %dma_wait3A_159 = tpu.memref_squeeze %dma_wait3A_158 : memref<1x125xi32, #tpu.memory_space<vmem>> -> memref<125xi32, #tpu.memory_space<vmem>>
          %dma_wait3A_160 = arith.constant 0 : i32
          %dma_wait3A_161 = tpu.memref_slice %arg19[%dma_wait3A_160] : memref<10240xf32, #tpu.memory_space<vmem_shared>> -> memref<10240xf32, #tpu.memory_space<vmem_shared>>
          tpu.wait_indirect_dma semaphore(%arg17 : memref<!tpu.dma_semaphore, #tpu.memory_space<semaphore_mem>>) src(%dma_wait3A_156 : memref<125xf32, #tpu.memory_space<vmem>>) dst(%dma_wait3A_161 : memref<10240xf32, #tpu.memory_space<vmem_shared>>)
        } else {
        }
        %not3A = arith.constant true
        %not3A_126 = arith.xori %ge3A_109, %not3A : i1
        %convert_element_type3A_127 = arith.extui %not3A_126 : i1 to i32
        %cond3A_128 = arith.constant 0 : i32
        %cond3A_129 = arith.cmpi ne, %convert_element_type3A_127, %cond3A_128 : i32
        scf.if %cond3A_129 {
          "tpu.region"() ({
            %run_scoped3A = tpu.sem_alloc : memref<!tpu.dma_semaphore, #tpu.memory_space<semaphore_mem>>
            %dma_start3A_148 = arith.constant 0 : i32
            %dma_start3A_149 = tpu.memref_slice %arg9[%mul3A_108, %dma_start3A_148] : memref<160x125xi32, #tpu.memory_space<vmem>> -> memref<1x125xi32, #tpu.memory_space<vmem>>
            %dma_start3A_150 = tpu.memref_squeeze %dma_start3A_149 : memref<1x125xi32, #tpu.memory_space<vmem>> -> memref<125xi32, #tpu.memory_space<vmem>>
            %dma_start3A_151 = arith.constant 0 : i32
            %dma_start3A_152 = arith.constant 0 : i32
            %dma_start3A_153 = tpu.memref_slice %arg18[%dma_start3A_151, %dma_start3A_152] : memref<10240x64xf32, #tpu.memory_space<vmem_shared>> -> memref<10240x64xf32, #tpu.memory_space<vmem_shared>>
            tpu.enqueue_indirect_dma source(%arg10 : memref<125x64xf32, #tpu.memory_space<vmem>>) target(%dma_start3A_153 : memref<10240x64xf32, #tpu.memory_space<vmem_shared>>) offsets(%dma_start3A_150 : memref<125xi32, #tpu.memory_space<vmem>>) semaphore(%run_scoped3A : memref<!tpu.dma_semaphore, #tpu.memory_space<semaphore_mem>>) {add = true}
            %dma_wait3A_154 = arith.constant 0 : i32
            %dma_wait3A_155 = tpu.memref_slice %arg9[%mul3A_108, %dma_wait3A_154] : memref<160x125xi32, #tpu.memory_space<vmem>> -> memref<1x125xi32, #tpu.memory_space<vmem>>
            %dma_wait3A_156 = tpu.memref_squeeze %dma_wait3A_155 : memref<1x125xi32, #tpu.memory_space<vmem>> -> memref<125xi32, #tpu.memory_space<vmem>>
            %dma_wait3A_157 = arith.constant 0 : i32
            %dma_wait3A_158 = arith.constant 0 : i32
            %dma_wait3A_159 = tpu.memref_slice %arg18[%dma_wait3A_157, %dma_wait3A_158] : memref<10240x64xf32, #tpu.memory_space<vmem_shared>> -> memref<10240x64xf32, #tpu.memory_space<vmem_shared>>
            tpu.wait_indirect_dma semaphore(%run_scoped3A : memref<!tpu.dma_semaphore, #tpu.memory_space<semaphore_mem>>) src(%arg10 : memref<125x64xf32, #tpu.memory_space<vmem>>) dst(%dma_wait3A_159 : memref<10240x64xf32, #tpu.memory_space<vmem_shared>>)
            tpu.yield
          }) : () -> ()
        } else {
        }
        %lt3A = arith.constant 79 : i32
        %lt3A_130 = arith.cmpi slt, %add3A_106, %lt3A : i32
        %convert_element_type3A_131 = arith.extui %lt3A_130 : i1 to i32
        %cond3A_132 = arith.constant 0 : i32
        %cond3A_133 = arith.cmpi ne, %convert_element_type3A_131, %cond3A_132 : i32
        scf.if %cond3A_133 {
          %add3A_148 = arith.constant 2 : i32
          %add3A_149 = arith.addi %mul3A_108, %add3A_148 : i32
          %dma_start3A_150 = arith.constant 0 : i32
          %dma_start3A_151 = tpu.memref_slice %arg8[%add3A_149, %dma_start3A_150] : memref<160x125xi32, #tpu.memory_space<vmem>> -> memref<1x125xi32, #tpu.memory_space<vmem>>
          %dma_start3A_152 = tpu.memref_squeeze %dma_start3A_151 : memref<1x125xi32, #tpu.memory_space<vmem>> -> memref<125xi32, #tpu.memory_space<vmem>>
          %dma_start3A_153 = arith.constant 0 : i32
          %dma_start3A_154 = arith.constant 0 : i32
          %dma_start3A_155 = tpu.memref_slice %arg3[%dma_start3A_153, %dma_start3A_154] : memref<10000x64xf32, #tpu.memory_space<hbm>> -> memref<10000x64xf32, #tpu.memory_space<hbm>>
          tpu.enqueue_indirect_dma source(%dma_start3A_155 : memref<10000x64xf32, #tpu.memory_space<hbm>>) target(%arg10 : memref<125x64xf32, #tpu.memory_space<vmem>>) offsets(%dma_start3A_152 : memref<125xi32, #tpu.memory_space<vmem>>) semaphore(%arg15 : memref<!tpu.dma_semaphore, #tpu.memory_space<semaphore_mem>>)
        } else {
        }
        %dma_wait3A_134 = arith.constant 0 : i32
        %dma_wait3A_135 = tpu.memref_slice %arg8[%add3A_111, %dma_wait3A_134] : memref<160x125xi32, #tpu.memory_space<vmem>> -> memref<1x125xi32, #tpu.memory_space<vmem>>
        %dma_wait3A_136 = tpu.memref_squeeze %dma_wait3A_135 : memref<1x125xi32, #tpu.memory_space<vmem>> -> memref<125xi32, #tpu.memory_space<vmem>>
        %dma_wait3A_137 = arith.constant 0 : i32
        %dma_wait3A_138 = arith.constant 0 : i32
        %dma_wait3A_139 = tpu.memref_slice %arg3[%dma_wait3A_137, %dma_wait3A_138] : memref<10000x64xf32, #tpu.memory_space<hbm>> -> memref<10000x64xf32, #tpu.memory_space<hbm>>
        tpu.wait_indirect_dma semaphore(%arg16 : memref<!tpu.dma_semaphore, #tpu.memory_space<semaphore_mem>>) src(%dma_wait3A_139 : memref<10000x64xf32, #tpu.memory_space<hbm>>) dst(%arg11 : memref<125x64xf32, #tpu.memory_space<vmem>>)
        %convert_element_type3A_140 = arith.extui %ge3A_109 : i1 to i32
        %cond3A_141 = arith.constant 0 : i32
        %cond3A_142 = arith.cmpi ne, %convert_element_type3A_140, %cond3A_141 : i32
        scf.if %cond3A_142 {
          %add3A_148 = arith.constant 1 : i32
          %add3A_149 = arith.addi %mul3A_108, %add3A_148 : i32
          %dma_start3A_150 = arith.constant 0 : i32
          %dma_start3A_151 = tpu.memref_slice %arg12[%dma_start3A_150] : memref<128xf32, #tpu.memory_space<vmem>> -> memref<125xf32, #tpu.memory_space<vmem>>
          %dma_start3A_152 = arith.constant 0 : i32
          %dma_start3A_153 = tpu.memref_slice %arg9[%add3A_149, %dma_start3A_152] : memref<160x125xi32, #tpu.memory_space<vmem>> -> memref<1x125xi32, #tpu.memory_space<vmem>>
          %dma_start3A_154 = tpu.memref_squeeze %dma_start3A_153 : memref<1x125xi32, #tpu.memory_space<vmem>> -> memref<125xi32, #tpu.memory_space<vmem>>
          %dma_start3A_155 = arith.constant 0 : i32
          %dma_start3A_156 = tpu.memref_slice %arg19[%dma_start3A_155] : memref<10240xf32, #tpu.memory_space<vmem_shared>> -> memref<10240xf32, #tpu.memory_space<vmem_shared>>
          tpu.enqueue_indirect_dma source(%dma_start3A_151 : memref<125xf32, #tpu.memory_space<vmem>>) target(%dma_start3A_156 : memref<10240xf32, #tpu.memory_space<vmem_shared>>) offsets(%dma_start3A_154 : memref<125xi32, #tpu.memory_space<vmem>>) semaphore(%arg17 : memref<!tpu.dma_semaphore, #tpu.memory_space<semaphore_mem>>) {add = true}
          %add3A_157 = arith.constant 1 : i32
          %add3A_158 = arith.addi %mul3A_108, %add3A_157 : i32
          "tpu.region"() ({
            %run_scoped3A = tpu.sem_alloc : memref<!tpu.dma_semaphore, #tpu.memory_space<semaphore_mem>>
            %dma_start3A_166 = arith.constant 0 : i32
            %dma_start3A_167 = tpu.memref_slice %arg9[%add3A_158, %dma_start3A_166] : memref<160x125xi32, #tpu.memory_space<vmem>> -> memref<1x125xi32, #tpu.memory_space<vmem>>
            %dma_start3A_168 = tpu.memref_squeeze %dma_start3A_167 : memref<1x125xi32, #tpu.memory_space<vmem>> -> memref<125xi32, #tpu.memory_space<vmem>>
            %dma_start3A_169 = arith.constant 0 : i32
            %dma_start3A_170 = arith.constant 0 : i32
            %dma_start3A_171 = tpu.memref_slice %arg18[%dma_start3A_169, %dma_start3A_170] : memref<10240x64xf32, #tpu.memory_space<vmem_shared>> -> memref<10240x64xf32, #tpu.memory_space<vmem_shared>>
            tpu.enqueue_indirect_dma source(%arg11 : memref<125x64xf32, #tpu.memory_space<vmem>>) target(%dma_start3A_171 : memref<10240x64xf32, #tpu.memory_space<vmem_shared>>) offsets(%dma_start3A_168 : memref<125xi32, #tpu.memory_space<vmem>>) semaphore(%run_scoped3A : memref<!tpu.dma_semaphore, #tpu.memory_space<semaphore_mem>>) {add = true}
            %dma_wait3A_172 = arith.constant 0 : i32
            %dma_wait3A_173 = tpu.memref_slice %arg9[%add3A_158, %dma_wait3A_172] : memref<160x125xi32, #tpu.memory_space<vmem>> -> memref<1x125xi32, #tpu.memory_space<vmem>>
            %dma_wait3A_174 = tpu.memref_squeeze %dma_wait3A_173 : memref<1x125xi32, #tpu.memory_space<vmem>> -> memref<125xi32, #tpu.memory_space<vmem>>
            %dma_wait3A_175 = arith.constant 0 : i32
            %dma_wait3A_176 = arith.constant 0 : i32
            %dma_wait3A_177 = tpu.memref_slice %arg18[%dma_wait3A_175, %dma_wait3A_176] : memref<10240x64xf32, #tpu.memory_space<vmem_shared>> -> memref<10240x64xf32, #tpu.memory_space<vmem_shared>>
            tpu.wait_indirect_dma semaphore(%run_scoped3A : memref<!tpu.dma_semaphore, #tpu.memory_space<semaphore_mem>>) src(%arg11 : memref<125x64xf32, #tpu.memory_space<vmem>>) dst(%dma_wait3A_177 : memref<10240x64xf32, #tpu.memory_space<vmem_shared>>)
            tpu.yield
          }) : () -> ()
          %dma_wait3A_159 = arith.constant 0 : i32
          %dma_wait3A_160 = tpu.memref_slice %arg12[%dma_wait3A_159] : memref<128xf32, #tpu.memory_space<vmem>> -> memref<125xf32, #tpu.memory_space<vmem>>
          %dma_wait3A_161 = arith.constant 0 : i32
          %dma_wait3A_162 = tpu.memref_slice %arg9[%add3A_149, %dma_wait3A_161] : memref<160x125xi32, #tpu.memory_space<vmem>> -> memref<1x125xi32, #tpu.memory_space<vmem>>
          %dma_wait3A_163 = tpu.memref_squeeze %dma_wait3A_162 : memref<1x125xi32, #tpu.memory_space<vmem>> -> memref<125xi32, #tpu.memory_space<vmem>>
          %dma_wait3A_164 = arith.constant 0 : i32
          %dma_wait3A_165 = tpu.memref_slice %arg19[%dma_wait3A_164] : memref<10240xf32, #tpu.memory_space<vmem_shared>> -> memref<10240xf32, #tpu.memory_space<vmem_shared>>
          tpu.wait_indirect_dma semaphore(%arg17 : memref<!tpu.dma_semaphore, #tpu.memory_space<semaphore_mem>>) src(%dma_wait3A_160 : memref<125xf32, #tpu.memory_space<vmem>>) dst(%dma_wait3A_165 : memref<10240xf32, #tpu.memory_space<vmem_shared>>)
        } else {
        }
        %not3A_143 = arith.constant true
        %not3A_144 = arith.xori %ge3A_109, %not3A_143 : i1
        %convert_element_type3A_145 = arith.extui %not3A_144 : i1 to i32
        %cond3A_146 = arith.constant 0 : i32
        %cond3A_147 = arith.cmpi ne, %convert_element_type3A_145, %cond3A_146 : i32
        scf.if %cond3A_147 {
          %add3A_148 = arith.constant 1 : i32
          %add3A_149 = arith.addi %mul3A_108, %add3A_148 : i32
          "tpu.region"() ({
            %run_scoped3A = tpu.sem_alloc : memref<!tpu.dma_semaphore, #tpu.memory_space<semaphore_mem>>
            %dma_start3A_150 = arith.constant 0 : i32
            %dma_start3A_151 = tpu.memref_slice %arg9[%add3A_149, %dma_start3A_150] : memref<160x125xi32, #tpu.memory_space<vmem>> -> memref<1x125xi32, #tpu.memory_space<vmem>>
            %dma_start3A_152 = tpu.memref_squeeze %dma_start3A_151 : memref<1x125xi32, #tpu.memory_space<vmem>> -> memref<125xi32, #tpu.memory_space<vmem>>
            %dma_start3A_153 = arith.constant 0 : i32
            %dma_start3A_154 = arith.constant 0 : i32
            %dma_start3A_155 = tpu.memref_slice %arg18[%dma_start3A_153, %dma_start3A_154] : memref<10240x64xf32, #tpu.memory_space<vmem_shared>> -> memref<10240x64xf32, #tpu.memory_space<vmem_shared>>
            tpu.enqueue_indirect_dma source(%arg11 : memref<125x64xf32, #tpu.memory_space<vmem>>) target(%dma_start3A_155 : memref<10240x64xf32, #tpu.memory_space<vmem_shared>>) offsets(%dma_start3A_152 : memref<125xi32, #tpu.memory_space<vmem>>) semaphore(%run_scoped3A : memref<!tpu.dma_semaphore, #tpu.memory_space<semaphore_mem>>) {add = true}
            %dma_wait3A_156 = arith.constant 0 : i32
            %dma_wait3A_157 = tpu.memref_slice %arg9[%add3A_149, %dma_wait3A_156] : memref<160x125xi32, #tpu.memory_space<vmem>> -> memref<1x125xi32, #tpu.memory_space<vmem>>
            %dma_wait3A_158 = tpu.memref_squeeze %dma_wait3A_157 : memref<1x125xi32, #tpu.memory_space<vmem>> -> memref<125xi32, #tpu.memory_space<vmem>>
            %dma_wait3A_159 = arith.constant 0 : i32
            %dma_wait3A_160 = arith.constant 0 : i32
            %dma_wait3A_161 = tpu.memref_slice %arg18[%dma_wait3A_159, %dma_wait3A_160] : memref<10240x64xf32, #tpu.memory_space<vmem_shared>> -> memref<10240x64xf32, #tpu.memory_space<vmem_shared>>
            tpu.wait_indirect_dma semaphore(%run_scoped3A : memref<!tpu.dma_semaphore, #tpu.memory_space<semaphore_mem>>) src(%arg11 : memref<125x64xf32, #tpu.memory_space<vmem>>) dst(%dma_wait3A_161 : memref<10240x64xf32, #tpu.memory_space<vmem_shared>>)
            tpu.yield
          }) : () -> ()
        } else {
        }
      }
      %scan3A_101 = arith.constant 80 : i32
    } else {
    }
    %barrier3A_82 = arith.constant 0 : index
    tpu.barrier barrier_id(%barrier3A_82)
    %mul3A_83 = arith.constant 640 : i32
    %mul3A_84 = arith.muli %arg1, %mul3A_83 : i32
    %mul3A_85 = arith.constant 640 : i32
    %mul3A_86 = arith.muli %arg1, %mul3A_85 : i32
    "tpu.region"() ({
      %run_scoped3A = tpu.sem_alloc : memref<!tpu.dma_semaphore, #tpu.memory_space<semaphore_mem>>
      %dma_start3A = arith.constant 0 : i32
      %dma_start3A_91 = tpu.memref_slice %arg6[%arg0, %mul3A_86, %dma_start3A] : memref<2x10240x64xf32, #tpu.memory_space<hbm>> -> memref<1x640x64xf32, #tpu.memory_space<hbm>>
      %dma_start3A_92 = tpu.memref_squeeze %dma_start3A_91 : memref<1x640x64xf32, #tpu.memory_space<hbm>> -> memref<640x64xf32, #tpu.memory_space<hbm>>
      %dma_start3A_93 = arith.constant 0 : i32
      %dma_start3A_94 = tpu.memref_slice %arg18[%mul3A_84, %dma_start3A_93] : memref<10240x64xf32, #tpu.memory_space<vmem_shared>> -> memref<640x64xf32, #tpu.memory_space<vmem_shared>>
      tpu.enqueue_dma source(%dma_start3A_94 : memref<640x64xf32, #tpu.memory_space<vmem_shared>>) target(%dma_start3A_92 : memref<640x64xf32, #tpu.memory_space<hbm>>) target_semaphore(%run_scoped3A : memref<!tpu.dma_semaphore, #tpu.memory_space<semaphore_mem>>)
      %dma_wait3A = arith.constant 0 : i32
      %dma_wait3A_95 = tpu.memref_slice %arg6[%arg0, %mul3A_86, %dma_wait3A] : memref<2x10240x64xf32, #tpu.memory_space<hbm>> -> memref<1x640x64xf32, #tpu.memory_space<hbm>>
      %dma_wait3A_96 = tpu.memref_squeeze %dma_wait3A_95 : memref<1x640x64xf32, #tpu.memory_space<hbm>> -> memref<640x64xf32, #tpu.memory_space<hbm>>
      %dma_wait3A_97 = arith.constant 0 : i32
      %dma_wait3A_98 = tpu.memref_slice %arg18[%mul3A_84, %dma_wait3A_97] : memref<10240x64xf32, #tpu.memory_space<vmem_shared>> -> memref<640x64xf32, #tpu.memory_space<vmem_shared>>
      tpu.wait_dma2 semaphore(%run_scoped3A : memref<!tpu.dma_semaphore, #tpu.memory_space<semaphore_mem>>) src(%dma_wait3A_98 : memref<640x64xf32, #tpu.memory_space<vmem_shared>>) dst(%dma_wait3A_96 : memref<640x64xf32, #tpu.memory_space<hbm>>)
      tpu.yield
    }) : () -> ()
    %mul3A_87 = arith.constant 640 : i32
    %mul3A_88 = arith.muli %arg1, %mul3A_87 : i32
    %mul3A_89 = arith.constant 640 : i32
    %mul3A_90 = arith.muli %arg1, %mul3A_89 : i32
    "tpu.region"() ({
      %run_scoped3A = tpu.sem_alloc : memref<!tpu.dma_semaphore, #tpu.memory_space<semaphore_mem>>
      %dma_start3A = tpu.memref_slice %arg7[%arg0, %mul3A_90] : memref<2x10240xf32, #tpu.memory_space<hbm>> -> memref<1x640xf32, #tpu.memory_space<hbm>>
      %dma_start3A_91 = tpu.memref_squeeze %dma_start3A : memref<1x640xf32, #tpu.memory_space<hbm>> -> memref<640xf32, #tpu.memory_space<hbm>>
      %dma_start3A_92 = tpu.memref_slice %arg19[%mul3A_88] : memref<10240xf32, #tpu.memory_space<vmem_shared>> -> memref<640xf32, #tpu.memory_space<vmem_shared>>
      tpu.enqueue_dma source(%dma_start3A_92 : memref<640xf32, #tpu.memory_space<vmem_shared>>) target(%dma_start3A_91 : memref<640xf32, #tpu.memory_space<hbm>>) target_semaphore(%run_scoped3A : memref<!tpu.dma_semaphore, #tpu.memory_space<semaphore_mem>>)
      %dma_wait3A = tpu.memref_slice %arg7[%arg0, %mul3A_90] : memref<2x10240xf32, #tpu.memory_space<hbm>> -> memref<1x640xf32, #tpu.memory_space<hbm>>
      %dma_wait3A_93 = tpu.memref_squeeze %dma_wait3A : memref<1x640xf32, #tpu.memory_space<hbm>> -> memref<640xf32, #tpu.memory_space<hbm>>
      %dma_wait3A_94 = tpu.memref_slice %arg19[%mul3A_88] : memref<10240xf32, #tpu.memory_space<vmem_shared>> -> memref<640xf32, #tpu.memory_space<vmem_shared>>
      tpu.wait_dma2 semaphore(%run_scoped3A : memref<!tpu.dma_semaphore, #tpu.memory_space<semaphore_mem>>) src(%dma_wait3A_94 : memref<640xf32, #tpu.memory_space<vmem_shared>>) dst(%dma_wait3A_93 : memref<640xf32, #tpu.memory_space<hbm>>)
      tpu.yield
    }) : () -> ()
    return
  }
}

</mosaic_0001>

<sc_bundles>
// kernel: _sc_scatter.3.cloned.1.call-start
scs
__scs_entry_jumppad:
0x0: {  	(pc) =	sbr.rel $0x88, $3  }
0x1: {  	(tag) =	ssettag $0x0;
	lr =	simm.s32 $0x1  }
0x2: {  	[smem:$0x3F9D] =	sst lr;
	_ =	strace $0xD0000000  }
0x3: {  	_ = 	snop  }
0x4: {  	_ = 	snop  }
0x5: {  	_ = 	snop  }
0x6: {  	_ = 	snop  }
0x7: {  	_ = 	snop  }
__scs_overlays_trampoline_lowered:
0x8: {  	[smem:$0x3FAC] =	sst s0  }
0x9: {  	[smem:$0x3FAD] =	sst s1  }
0xa: {  	[smem:$0x3FAE] =	sst s2  }
0xb: {  	[smem:$0x3FAF] =	sst s3  }
0xc: {  	[smem:$0x3FB0] =	sst s4  }
0xd: {  	[smem:$0x3FB1] =	sst s5  }
0xe: {  	[smem:$0x3FB2] =	sst s6  }
0xf: {  	[smem:$0x3FB3] =	sst s7  }
0x10: {  	[smem:$0x3FB4] =	sst s8  }
0x11: {  	[smem:$0x3FB5] =	sst s9;
	s0 =	simm.s32 @!p0 $0x0  }
0x12: {  	s1 =	sld [smem:$0x3F9B];
	s0 =	simm.s32 @p0 $0x1  }
0x13: {  	[smem:$0x3FB6] =	sst s0;
	s0 =	simm.s32 @!p1 $0x0  }
0x14: {  	s2 =	sld [smem:$0x3F9A];
	s0 =	simm.s32 @p1 $0x1  }
0x15: {  	[smem:$0x3FB7] =	sst s0;
	s0 =	simm.s32 @!p2 $0x0  }
0x16: {  	s3 =	sld [smem:$0x3FDB];
	s0 =	simm.s32 @p2 $0x1  }
0x17: {  	s4 =	simm.s32 $0x1BF5;
	[smem:$0x3FB9] =	sst s0  }
0x18: {  	s0 =	sld [smem:$0x3F9C];
	_ =	swait.ge [sflag:s4], $0x0  }
0x19: {  	s7 =	sld [smem:$0x3F9D]  }
0x1a: {  	s8 =	sadd.s32 $0xFFFFE003, lr  }
0x1b: {  	s9 =	sadd.s32 $0xFFFFFEF7, lr;
	s5 =	simm.s32 $0xFFFFFFFF;
	p2 =	slt.u32 s8, $0xFFFFF086  }
0x1c: {  	p1 =	slt.u32 s9, $0xF7A;
	s5 =	simm.s32 @!p2 $0x0  }
0x1d: {  	s5 =	simm.s32 @p1 $0x1;
	p0 =	seq.s32 s7, s2  }
0x1e: {  	s7 =	smul.u32 @!p0 $0xF7A, s2;
	p2 =	seq.s32 @!p0 s5, $0x0  }
0x1f: {  	s9 =	smul.u32 $0xF7A, s1;
	s8 =	simm.s32 @!p0 $0x1BF5;
	p2 =	por !p2, p0  }
0x20: {  	[sflag:s8] =	ssyncset.s32 @!p0 $0xFFFFF086;
	s6 =	sadd.s32 @!p0 s3, s7;
	s7 =	simm.s32 @!p0 $0x108  }
0x21: {  	s3 =	sadd.s32 s3, s9;
	s6 =	sadd.s32 @!p0 $0x88, s6;
	s7 =	simm.s32 @p2 $0x1082  }
0x22: {  	[simem:s7], [sflag:s8] =	dma.local @!p0 [hbm:s6], $0xF7A  }
0x23: {  	s9 =	sor.u32 $0xD0000000, s2;
	s6 =	simm.s32 $0x108;
	_ =	swait.ge @!p0 [sflag:s8], $0x0  }
0x24: {  	s3 =	sadd.s32 $0x88, s3;
	s6 =	simm.s32 @!p1 $0x1082;
	[sflag:s4] =	ssyncset.s32 $0xFFFFF086  }
0x25: {  	[simem:s6], [sflag:s4] =	dma.local [hbm:s3], $0xF7A  }
0x26: {  	[smem:$0x3F9D] =	sst s1;
	(tag) =	ssettag s2;
	_ =	strace s9  }
0x27: {  	s1 =	sld [smem:$0x3FAD]  }
0x28: {  	s2 =	sld [smem:$0x3FAE]  }
0x29: {  	s4 =	sld [smem:$0x3FB0]  }
0x2a: {  	p0 =	seq.s32 s5, $0x0;
	s5 =	sld [smem:$0x3FB1]  }
0x2b: {  	s6 =	sld [smem:$0x3FB2]  }
0x2c: {  	s7 =	sld [smem:$0x3FB3]  }
0x2d: {  	s3 =	simm.s32 $0x108;
	s8 =	sld [smem:$0x3FB4]  }
0x2e: {  	s3 =	simm.s32 @!p0 $0x1082;
	s9 =	sld [smem:$0x3FB5]  }
0x2f: {  	lr =	sadd.s32 s0, s3;
	s0 =	sld [smem:$0x3FAC]  }
0x30: {  	s3 =	sld [smem:$0x3FAF]  }
0x31: {  	[smem:$0x3FB8] =	sst s10  }
0x32: {  	s10 =	sld [smem:$0x3FB6];
	_ =	sdelay $0x3  }
0x33: {  	p0 =	seq.s32 s10, $0x1;
	s10 =	sld [smem:$0x3FB8];
	_ =	sdelay $0x3  }
0x34: {  	[smem:$0x3FB8] =	sst s10  }
0x35: {  	s10 =	sld [smem:$0x3FB7];
	_ =	sdelay $0x3  }
0x36: {  	p1 =	seq.s32 s10, $0x1;
	s10 =	sld [smem:$0x3FB8];
	_ =	sdelay $0x3  }
0x37: {  	[smem:$0x3FB8] =	sst s10  }
0x38: {  	s10 =	sld [smem:$0x3FB9]  }
0x39: {  	_ = 	snop;
	(pc) =	sbr.ind lr, $3  }
0x3a: {  	_ = 	snop  }
0x3b: {  	_ = 	snop  }
0x3c: {  	p2 =	seq.s32 s10, $0x1;
	s10 =	sld [smem:$0x3FB8]  }
0x3d: {  	_ =	shalt  }
0x3e: {  	_ =	shalt  }
0x3f: {  	_ =	shalt  }
0x40: {  	_ =	shalt  }
0x41: {  	_ =	shalt  }
0x42: {  	_ =	shalt  }
0x43: {  	_ =	shalt  }
0x44: {  	_ =	shalt  }
0x45: {  	_ =	shalt  }
0x46: {  	_ =	shalt  }
0x47: {  	_ =	shalt  }
0x48: {  	_ =	shalt  }
0x49: {  	_ =	shalt  }
0x4a: {  	_ =	shalt  }
0x4b: {  	_ =	shalt  }
0x4c: {  	_ =	shalt  }
0x4d: {  	_ =	shalt  }
0x4e: {  	_ =	shalt  }
0x4f: {  	_ =	shalt  }
0x50: {  	_ =	shalt  }
0x51: {  	_ =	shalt  }
0x52: {  	_ =	shalt  }
0x53: {  	_ =	shalt  }
0x54: {  	_ =	shalt  }
0x55: {  	_ =	shalt  }
0x56: {  	_ =	shalt  }
0x57: {  	_ =	shalt  }
0x58: {  	_ =	shalt  }
0x59: {  	_ =	shalt  }
0x5a: {  	_ =	shalt  }
0x5b: {  	_ =	shalt  }
0x5c: {  	_ =	shalt  }
0x5d: {  	_ =	shalt  }
0x5e: {  	_ =	shalt  }
0x5f: {  	_ =	shalt  }
0x60: {  	_ =	shalt  }
0x61: {  	_ =	shalt  }
0x62: {  	_ =	shalt  }
0x63: {  	_ =	shalt  }
0x64: {  	_ =	shalt  }
0x65: {  	_ =	shalt  }
0x66: {  	_ =	shalt  }
0x67: {  	_ =	shalt  }
0x68: {  	_ =	shalt  }
0x69: {  	_ =	shalt  }
0x6a: {  	_ =	shalt  }
0x6b: {  	_ =	shalt  }
0x6c: {  	_ =	shalt  }
0x6d: {  	_ =	shalt  }
0x6e: {  	_ =	shalt  }
0x6f: {  	_ =	shalt  }
0x70: {  	_ =	shalt  }
0x71: {  	_ =	shalt  }
0x72: {  	_ =	shalt  }
0x73: {  	_ =	shalt  }
0x74: {  	_ =	shalt  }
0x75: {  	_ =	shalt  }
0x76: {  	_ =	shalt  }
0x77: {  	_ =	shalt  }
0x78: {  	_ =	shalt  }
0x79: {  	_ =	shalt  }
0x7a: {  	_ =	shalt  }
0x7b: {  	_ =	shalt  }
0x7c: {  	_ =	shalt  }
0x7d: {  	_ =	shalt  }
0x7e: {  	_ =	shalt  }
0x7f: {  	_ =	shalt  }
0x80: {  	_ =	shalt  }
0x81: {  	_ =	shalt  }
0x82: {  	_ =	shalt  }
0x83: {  	_ =	shalt  }
0x84: {  	_ =	shalt  }
0x85: {  	_ =	shalt  }
0x86: {  	_ =	shalt  }
0x87: {  	_ =	shalt  }
.Lfunc_end0:
.L_simem_size_0:
called_computation_lowered:
.L_overlay_start_0:
0x88: {  	s2 =	sld [smem:$0x3FD9]  }
0x89: {  	s3 =	sld [smem:$0x3FFE];
	_ =	sdelay $0x1  }
0x8a: {  	s1 =	srdreg.scid  }
0x8b: {  	s0 =	sand.u32 $0x1, s1  }
0x8c: {  	s14 =	sshll.u32 s0, $0xA;
	s2 =	sadd.s32 s3, s2  }
0x8d: {  	s2 =	sadd.s32 s2, s14  }
0x8e: {  	[smem:$0x3FC4] =	sst s2  }
0x8f: {  	_ = 	snop  }
0x90: {  	s2 =	sld [smem:$0x3FD0];
	_ =	sdelay $0x2  }
0x91: {  	s15 =	simm.s32 $0xA;
	s4 =	simm.s32 $0x10  }
0x92: {  	[smem:s4], [sflag:s15] =	dma.local [hbm:s2], $0x1  }
0x93: {  	_ =	swait.eq [sflag:s15], $0x1  }
0x94: {  	[sflag:s15] =	ssyncset.done $0x0  }
0x95: {  	[sflag:s15] =	ssyncadd.s32 $0xFFFFFFFF  }
0x96: {  	s16 =	sld [smem:$0x10];
	(tm) =	ssettm $0x1  }
0x97: {  	s17 =	sld [smem:$0x3FFB];
	_ =	sdelay $0x3  }
0x98: {  	_ =	strace s17  }
0x99: {  	s3 =	sld [smem:$0x3FFC];
	_ =	sdelay $0x3  }
0x9a: {  	_ =	strace s3  }
0x9b: {  	s3 =	sld [smem:$0x3FFD];
	_ =	sdelay $0x3  }
0x9c: {  	_ =	strace s3  }
0x9d: {  	_ =	strace $0x8FFFFFFF  }
0x9e: {  	s18 =	sld [smem:$0x3FDB];
	_ =	sdelay $0x1  }
0x9f: {  	s19 =	simm.s32 $_scs_section_size  }
0xa0: {  	s5 =	simm.s32 $_size__tile_overlayer_lowered;
	s6 =	simm.s32 $_tile_overlayer_lowered  }
0xa1: {  	s22 =	simm.s32 $0x1BFF;
	s21 =	sshll.u32 s6, $0x1;
	s3 =	sadd.s32 s19, s18  }
0xa2: {  	s7 =	simm.s32 $0x0;
	s20 =	sshll.u32 s5, $0x1;
	s5 =	sadd.s32 s21, s3  }
0xa3: {  	[timem:s7], [sflag:s22] =	dma.local [hbm:s5], s20  }
0xa4: {  	_ =	swait.ge [sflag:s22], s20  }
0xa5: {  	s4 =	ssub.s32 $0x0, s20;
	[sflag:s22] =	ssyncset.done $0x0  }
0xa6: {  	[sflag:s22] =	ssyncadd.s32 s4;
	_ =	sdelay $0x1  }
0xa7: {  	s23 =	simm.s32 $0x1B8B  }
0xa8: {  	_ =	swait.ge [sflag:s23], $0x1  }
0xa9: {  	[sflag:s23] =	ssyncset.done $0x0  }
0xaa: {  	s25 =	simm.s32 $0x1B8E;
	s24 =	sld [smem:$0x3FFE];
	[sflag:s23] =	ssyncadd.s32 $0xFFFFFFFF  }
0xab: {  	s26 =	simm.s32 $execute0_lowered;
	[smem:$0x3FD2] =	sst s25  }
0xac: {  	s5 =	sshll.u32 s26, $0x1;
	_ =	strace $0x80000046;
	[dreg:$0x1] =	wrdreg $0xFFFFFFFF  }
0xad: {  	s28 =	simm.s32 $_size_execute0_lowered;
	s3 =	sadd.s32 s3, s5;
	[dreg:$0x0] =	wrdreg $0x0  }
0xae: {  	s5 =	sshll.u32 s28, $0x1;
	[dreg:$0x2] =	wrdreg s3  }
0xaf: {  	[dreg:$0x3] =	wrdreg s5  }
0xb0: {  	[dreg:$0x4] =	wrdreg $0xC0  }
0xb1: {  	_ =	task [dreg:s7], $0x5FFFF  }
0xb2: {  	[dreg:$0x1] =	wrdreg $0xFFFFFFFF  }
0xb3: {  	[dreg:$0x0] =	wrdreg $0x60  }
0xb4: {  	[dreg:$0x2] =	wrdreg s24  }
0xb5: {  	[dreg:$0x3] =	wrdreg s16  }
0xb6: {  	[dreg:$0x4] =	wrdreg $0x101800  }
0xb7: {  	[dreg:$0x5] =	wrdreg $0x1A1800  }
0xb8: {  	[dreg:$0x6] =	wrdreg $0x9  }
0xb9: {  	_ =	task.clear_ibuf [dreg:s7], $0x7FFFF;
	_ =	strace $0x90000046  }
0xba: {  	s29 =	simm.s32 $0x9;
	_ =	strace $0x80000048  }
0xbb: {  	_ =	swait.ge [sflag:s29], $0x1  }
0xbc: {  	[sflag:s29] =	ssyncadd.s32 $0xFFFFFFFF  }
0xbd: {  	_ =	strace $0x90000048  }
0xbe: {  	_ =	sfence  }
0xbf: {  	s30 =	sld [smem:$0x0];
	_ =	sdelay $0x2  }
0xc0: {  	s31 =	sshll.u32 s1, $0xD;
	s1 =	sshrl.u32 s1, $0x2  }
0xc1: {  	s3 =	sand.u32 $0x4000, s31;
	s1 =	sadd.s32 s1, s30  }
0xc2: {  	s0 =	sor.u32 s3, s0;
	s1 =	sshll.u32 s1, $0x11  }
0xc3: {  	s0 =	sor.u32 s1, s0  }
0xc4: {  	s0 =	sadd.s32 $0x8F2B, s0  }
0xc5: {  	[sflag:s0] =	ssyncadd.remote.s32 $0x1  }
0xc6: {  	_ =	sfence.sel $0xFFFF  }
0xc7: {  	[dreg:$0x0] =	wrdreg $0xFFFFFFFF;
	(pc) =	sbr.abs _section_cstart, $3  }
0xc8: {  	[dreg:$0x1] =	wrdreg $0xFFFFFFFF  }
0xc9: {  	_ =	task.clear_ibuf [dreg:s7], $0x2FFFF;
	_ =	strace $0x9FFFFFFF  }
0xca: {  	(tm) =	ssettm $0x7FFFFFFF  }
0xcb: {  	_ =	shalt  }
tec
execute0_lowered:
.L_overlay_start_1:
0x0: {  	(tag) =	ssettag $0x1  }
0x1: {  	s0 =	rddreg [dreg:$0x0]  }
0x2: {  	s1 =	rddreg [dreg:$0x1]  }
0x3: {  	s2 =	rddreg [dreg:$0x2]  }
0x4: {  	s3 =	rddreg [dreg:$0x3]  }
0x5: {  	s20 =	stileid.u32;
	s5 =	srdreg.scid;
	s4 =	simm.s32 $0x0  }
0x6: {  	s18 =	simm.s32 $0xE180;
	s19 =	simm.s32 $0x4;
	s12 =	smul.u32 $0x280, s20  }
0x7: {  	s31 =	simm.s32 $0x5000;
	s22 =	simm.s32 $0x7D;
	s7 =	smul.u32 $0xA00, s20  }
0x8: {  	s23 =	simm.s32 $0xA000;
	s24 =	simm.s32 $0xBF40;
	s9 =	smul.u32 $0x28000, s20  }
0x9: {  	s21 =	simm.s32 $0x0;
	s15 =	sand.u32 $0x1, s5;
	s13 =	smul.u32 $0xA000, s20  }
0xa: {  	[smem:$0x7FF] =	sst s4;
	s5 =	sadd.s32 $0x14E00, s0;
	s6 =	smul.u32 $0x2800, s15  }
0xb: {  	_ =	strace $0x80000047;
	s25 =	ssub.s32 $0x2, s15;
	s16 =	smul.u32 $0xA0000, s15  }
0xc: {  	p0 =	seq.s32 s15, $0x1;
	s14 =	sadd.s32 s7, s0;
	s26 =	sshrl.u32 s25, $0x1  }
0xd: {  	s9 =	sshrl.u32 s9, $0x2;
	s7 =	sadd.s32 s13, s2;
	s8 =	sadd.s32 s12, s6  }
0xe: {  	s6 =	sadd.s32 $0x28800, s0;
	s17 =	ssub.s32 s25, s26;
	s11 =	sadd.s32 s9, s2  }
0xf: {  	s16 =	sadd.s32 s13, s16;
	s12 =	sadd.s32 s12, s3;
	s13 =	sadd.s32 $0xE00, s14  }
0x10: {  	s14 =	sadd.s32 $0xAE00, s14;
	s25 =	simm.s32 $0x1;
	s26 =	simm.s32 $0x2  }
.Ltmp0:
0x11: {  	s8 =	sshrl.u32 s8, $0x3;
	s28 =	sadd.s32 $0x2000, s11;
	(pc) =	sbr.rel .LBB2_1-.Ltmp0, $4  }
0x12: {  	s29 =	sadd.s32 $0x4000, s11;
	s30 =	sadd.s32 $0x6000, s11;
	[dreg:$0x5] =	wrdreg s28  }
0x13: {  	s11 =	sadd.s32 $0x8000, s11;
	s16 =	sshrl.u32 s16, $0x3;
	[dreg:$0x6] =	wrdreg s29  }
0x14: {  	s0 =	sadd.s32 s8, s0;
	[dreg:$0x7] =	wrdreg s30;
	s15 =	sadd.s32 s1, s16  }
0x15: {  	v0 =	vimm.f32 $0.0e+00;
	v1 =	vimm.f32 $1.000000000e+00;
	s16 =	sadd.s32 $0x3C200, s0;
	s0 =	smax.u32 s17, $0x1;
	s17 =	simm.s32 $0xDF00  }
.LBB2_6:
0x16: {  	[sflag:s29] =	ssyncset.done @!p1 $0x0  }
0x17: {  	s1 =	simm.s32 $0x4F80;
	[sflag:s29] =	ssyncadd.s32 @!p1 $0xFFFFFF83  }
0x18: {  	[tilespmem:s24], [sflag:$0x2] =	stream.indirect.gather [hbm4b:s5+s22], $0x40, s1, s22, $0xb8;
	[tilespmem:$0x1A400] =	vst v63  }
0x19: {  	_ =	swait.ge [sflag:s25], $0x1F40  }
0x1a: {  	[sflag:s25] =	ssyncset.done $0x0  }
0x1b: {  	s28 =	simm.s32 $0x9F00;
	s29 =	simm.s32 $0x5;
	[sflag:s25] =	ssyncadd.s32 $0xFFFFE0C0  }
0x1c: {  	[spmem:s2] =	stream.indirect.scatter.add.f32 [tilespmem:s23], [sflag:$0x5], $0x40, s28, s22, $0xb8;
	[tilespmem:$0x1A400] =	vst v63  }
0x1d: {  	_ =	swait.ge [sflag:s29], $0x1F40  }
0x1e: {  	[sflag:s29] =	ssyncset.done $0x0  }
0x1f: {  	[sflag:s29] =	ssyncadd.s32 $0xFFFFE0C0  }
0x20: {  	s30 =	simm.s32 $0x9F80;
	s20 =	stileid.u32;
	_ =	swait.ge [sflag:s26], $0x1F40  }
0x21: {  	s11 =	smov.u32 s14;
	s13 =	smov.u32 s15;
	[sflag:s26] =	ssyncset.done $0x0  }
0x22: {  	s14 =	smov.u32 s16;
	s15 =	smov.u32 s17;
	[sflag:s26] =	ssyncadd.s32 $0xFFFFE0C0  }
0x23: {  	[spmem:s2] =	stream.indirect.scatter.add.f32 [tilespmem:s24], [sflag:$0x4], $0x40, s30, s22, $0xb8;
	[tilespmem:$0x1A400] =	vst v63  }
0x24: {  	s16 =	smov.u32 s0;
	s0 =	smov.u32 s7;
	_ =	swait.ge [sflag:s19], $0x1F40  }
0x25: {  	s7 =	smov.u32 s12;
	s12 =	smov.u32 s31;
	[sflag:s19] =	ssyncset.done $0x0  }
0x26: {  	s17 =	simm.s32 $0xDF00;
	s31 =	simm.s32 $0x5000;
	[sflag:s19] =	ssyncadd.s32 $0xFFFFE0C0  }
.LBB2_10:
0x27: {  	s1 =	sshll.u32 s20, $0x6  }
0x28: {  	[bflag:$0x0] =	sbarrier.arrive $0xFFFF;
	s4 =	sshrl.u32 s7, $0x3;
	s1 =	sor.u32 $0x1C04, s1  }
0x29: {  	[hbm:s15], [sflag:s1] =	dma.local [spmem:s4], $0x1400  }
0x2a: {  	s21 =	sadd.s32 $0x1, s21;
	_ =	swait.ge [sflag:s19], $0x1400  }
0x2b: {  	p1 =	sne.s32 s21, s0;
	[sflag:s19] =	ssyncset.done $0x0  }
.Ltmp1:
0x2c: {  	s30 =	sshrl.u32 s12, $0x3;
	[sflag:s19] =	ssyncadd.s32 $0xFFFFEC00;
	(pc) =	sbr.rel @!p1 .LBB2_11-.Ltmp1, $4  }
0x2d: {  	[hbm:s16], [sflag:s1] =	dma.local [spmem:s30], $0x50  }
0x2e: {  	_ =	swait.ge [sflag:s19], $0x50  }
0x2f: {  	[sflag:s19] =	ssyncset.done $0x0  }
0x30: {  	[sflag:s19] =	ssyncadd.s32 $0xFFFFFFB0  }
.LBB2_1:
0x31: {  	s28 =	simm.s32 $0x100;
	s1 =	simm.s32 $0x0  }
.LBB2_2:
0x32: {  	p1 =	sne.s32 s28, $0x7F00;
	[tilespmem:s1+$0xE1B0] =	vst v0;
	s29 =	smov.u32 s28;
	s28 =	sadd.s32 $0x100, s28  }
.Ltmp2:
0x33: {  	[tilespmem:s1+$0xE1A0] =	vst v0;
	(pc) =	sbr.rel @p1 .LBB2_2-.Ltmp2, $3  }
0x34: {  	[tilespmem:s1+$0xE180] =	vst v0  }
0x35: {  	[tilespmem:s1+$0xE190] =	vst v0;
	_ =	sdelay $0x1  }
0x36: {  	s1 =	sshra.s32 s29, $0x2  }
0x37: {  	[tilespmem:s1+$0xE1B0] =	vst v0  }
0x38: {  	[tilespmem:s1+$0xE1A0] =	vst v0  }
0x39: {  	[tilespmem:s1+$0xE180] =	vst v0  }
0x3a: {  	[tilespmem:s1+$0xE190] =	vst v0  }
0x3b: {  	[tilespmem:$0xDF00] =	vst v0  }
0x3c: {  	[tilespmem:$0xDF10] =	vst v0  }
0x3d: {  	[tilespmem:$0xDF20] =	vst v0  }
0x3e: {  	[tilespmem:$0xDF30] =	vst v0  }
0x3f: {  	[tilespmem:$0xDF40] =	vst v0  }
0x40: {  	[tilespmem:$0xDF50] =	vst v0  }
0x41: {  	[tilespmem:$0xDF60] =	vst v0  }
0x42: {  	[tilespmem:$0xDF70] =	vst v0  }
0x43: {  	[tilespmem:$0xDF80] =	vst v0  }
0x44: {  	[tilespmem:$0xDF90] =	vst v0  }
0x45: {  	[tilespmem:$0xDFA0] =	vst v0  }
0x46: {  	[tilespmem:$0xDFB0] =	vst v0  }
0x47: {  	[tilespmem:$0xDFC0] =	vst v0  }
0x48: {  	[tilespmem:$0xDFD0] =	vst v0  }
0x49: {  	[tilespmem:$0xDFE0] =	vst v0  }
0x4a: {  	[tilespmem:$0xDFF0] =	vst v0  }
0x4b: {  	[tilespmem:$0xE000] =	vst v0  }
0x4c: {  	[tilespmem:$0xE010] =	vst v0  }
0x4d: {  	[tilespmem:$0xE020] =	vst v0  }
0x4e: {  	[tilespmem:$0xE030] =	vst v0  }
0x4f: {  	[tilespmem:$0xE040] =	vst v0  }
0x50: {  	[tilespmem:$0xE050] =	vst v0  }
0x51: {  	[tilespmem:$0xE060] =	vst v0  }
0x52: {  	[tilespmem:$0xE070] =	vst v0  }
0x53: {  	[tilespmem:$0xE080] =	vst v0  }
0x54: {  	[tilespmem:$0xE090] =	vst v0  }
0x55: {  	[tilespmem:$0xE0A0] =	vst v0  }
0x56: {  	[tilespmem:$0xE0B0] =	vst v0  }
0x57: {  	[tilespmem:$0xE0C0] =	vst v0  }
0x58: {  	[tilespmem:$0xE0D0] =	vst v0  }
0x59: {  	[tilespmem:$0xE0E0] =	vst v0  }
0x5a: {  	[tilespmem:$0xE0F0] =	vst v0  }
0x5b: {  	[tilespmem:$0xE100] =	vst v0  }
0x5c: {  	[tilespmem:$0xE110] =	vst v0  }
0x5d: {  	[tilespmem:$0xE120] =	vst v0  }
0x5e: {  	[tilespmem:$0xE130] =	vst v0  }
0x5f: {  	[tilespmem:$0xE140] =	vst v0  }
0x60: {  	[tilespmem:$0xE150] =	vst v0  }
0x61: {  	[tilespmem:$0xE160] =	vst v0  }
0x62: {  	[tilespmem:$0xE170] =	vst v0  }
0x63: {  	[tilespmem:$0xDE80] =	vst v1  }
0x64: {  	[tilespmem:$0xDE90] =	vst v1  }
0x65: {  	[tilespmem:$0xDEA0] =	vst v1  }
0x66: {  	[tilespmem:$0xDEB0] =	vst v1  }
0x67: {  	[tilespmem:$0xDEC0] =	vst v1  }
0x68: {  	[tilespmem:$0xDED0] =	vst v1  }
0x69: {  	[tilespmem:$0xDEE0] =	vst v1  }
0x6a: {  	[tilespmem:$0xDEF0] =	vst v1  }
0x6b: {  	[spmem:s7] =	stream.linear.scatter [tilespmem:s18], [sflag:$0x4], $0x2000, $0x38;
	[tilespmem:$0x1A400] =	vst v63  }
0x6c: {  	_ =	swait.ge [sflag:s19], $0x2000  }
0x6d: {  	[sflag:s19] =	ssyncset.done $0x0  }
0x6e: {  	s10 =	rddreg [dreg:$0x5];
	[sflag:s19] =	ssyncadd.s32 $0xFFFFE000  }
0x6f: {  	[spmem:s10] =	stream.linear.scatter [tilespmem:s18], [sflag:$0x4], $0x2000, $0x38;
	[tilespmem:$0x1A400] =	vst v63  }
0x70: {  	_ =	swait.ge [sflag:s19], $0x2000  }
0x71: {  	[sflag:s19] =	ssyncset.done $0x0  }
0x72: {  	s28 =	rddreg [dreg:$0x6];
	[sflag:s19] =	ssyncadd.s32 $0xFFFFE000  }
0x73: {  	[spmem:s28] =	stream.linear.scatter [tilespmem:s18], [sflag:$0x4], $0x2000, $0x38;
	[tilespmem:$0x1A400] =	vst v63  }
0x74: {  	_ =	swait.ge [sflag:s19], $0x2000  }
0x75: {  	[sflag:s19] =	ssyncset.done $0x0  }
0x76: {  	s29 =	rddreg [dreg:$0x7];
	[sflag:s19] =	ssyncadd.s32 $0xFFFFE000  }
0x77: {  	[spmem:s29] =	stream.linear.scatter [tilespmem:s18], [sflag:$0x4], $0x2000, $0x38;
	[tilespmem:$0x1A400] =	vst v63  }
0x78: {  	_ =	swait.ge [sflag:s19], $0x2000  }
0x79: {  	[sflag:s19] =	ssyncset.done $0x0  }
0x7a: {  	[sflag:s19] =	ssyncadd.s32 $0xFFFFE000  }
0x7b: {  	[spmem:s11] =	stream.linear.scatter [tilespmem:s18], [sflag:$0x4], $0x2000, $0x38;
	[tilespmem:$0x1A400] =	vst v63  }
0x7c: {  	_ =	swait.ge [sflag:s19], $0x2000  }
0x7d: {  	[sflag:s19] =	ssyncset.done $0x0  }
0x7e: {  	[sflag:s19] =	ssyncadd.s32 $0xFFFFE000  }
0x7f: {  	[spmem:s12] =	stream.linear.scatter [tilespmem:s17], [sflag:$0x4], $0x280, $0x38;
	[tilespmem:$0x1A400] =	vst v63  }
0x80: {  	_ =	swait.ge [sflag:s19], $0x280  }
0x81: {  	[sflag:s19] =	ssyncset.done $0x0  }
0x82: {  	[sflag:s19] =	ssyncadd.s32 $0xFFFFFD80  }
0x83: {  	s30 =	simm.s32 $0x0;
	[bflag:$0x0] =	sbarrier.arrive $0xFFFF  }
0x84: {  	[tilespmem:s30], [sflag:$0x4] =	stream.linear.gather [hbm4b:s13+s30], $0x5000, $0x38;
	[tilespmem:$0x1A400] =	vst v63  }
0x85: {  	_ =	swait.ge [sflag:s19], $0x5000  }
0x86: {  	[sflag:s19] =	ssyncset.done $0x0  }
.Ltmp3:
0x87: {  	[sflag:s19] =	ssyncadd.s32 $0xFFFFB000;
	(pc) =	sbr.rel @!p0 .LBB2_4-.Ltmp3, $4  }
0x88: {  	[tilespmem:s31], [sflag:$0x4] =	stream.linear.gather [hbm4b:s14+s30], $0x5000, $0x38;
	[tilespmem:$0x1A400] =	vst v63  }
0x89: {  	_ =	swait.ge [sflag:s19], $0x5000  }
0x8a: {  	[sflag:s19] =	ssyncset.done $0x0  }
0x8b: {  	[sflag:s19] =	ssyncadd.s32 $0xFFFFB000  }
0x8c: {  	s1 =	simm.s32 $0x0  }
0x8d: {  	[tilespmem:s23], [sflag:$0x1] =	stream.indirect.gather [hbm4b:s6+s22], $0x40, s1, s22, $0xb8;
	[tilespmem:$0x1A400] =	vst v63  }
0x8e: {  	s10 =	simm.s32 $0x80  }
0x8f: {  	[tilespmem:s24], [sflag:$0x2] =	stream.indirect.gather [hbm4b:s6+s22], $0x40, s10, s22, $0xb8;
	[tilespmem:$0x1A400] =	vst v63  }
0x90: {  	_ =	swait.ge [sflag:s25], $0x1F40  }
0x91: {  	p1 =	por $0x0, $0x0;
	s1 =	simm.s32 $0x5000;
	[sflag:s25] =	ssyncset.done $0x0  }
0x92: {  	s4 =	simm.s32 @p1 $0x7D;
	s8 =	simm.s32 @p1 $0xDE80;
	[sflag:s25] =	ssyncadd.s32 $0xFFFFE0C0  }
0x93: {  	[spmem:s3] =	stream.indirect.scatter.add.f32 @p1 [tilespmem:s8], [sflag:$0x3], $0x1, s1, s4, $0xb8;
	[tilespmem:$0x1A400] =	vst v63  }
0x94: {  	s9 =	simm.s32 @p1 $0x5;
	s8 =	simm.s32 @p1 $0xA000  }
0x95: {  	[spmem:s2] =	stream.indirect.scatter.add.f32 @p1 [tilespmem:s8], [sflag:$0x5], $0x40, s1, s4, $0xb8;
	[tilespmem:$0x1A400] =	vst v63  }
0x96: {  	_ =	swait.ge @p1 [sflag:s9], $0x1F40  }
0x97: {  	[sflag:s9] =	ssyncset.done @p1 $0x0  }
0x98: {  	s4 =	simm.s32 @p1 $0x3;
	[sflag:s9] =	ssyncadd.s32 @p1 $0xFFFFE0C0  }
0x99: {  	_ =	swait.ge @p1 [sflag:s4], $0x7D  }
0x9a: {  	s8 =	simm.s32 @!p1 $0x5;
	[sflag:s4] =	ssyncset.done @p1 $0x0  }
0x9b: {  	s9 =	simm.s32 @!p1 $0xA000;
	[sflag:s4] =	ssyncadd.s32 @p1 $0xFFFFFF83;
	s4 =	simm.s32 @!p1 $0x7D  }
0x9c: {  	[spmem:s2] =	stream.indirect.scatter.add.f32 @!p1 [tilespmem:s9], [sflag:$0x5], $0x40, s1, s4, $0xb8;
	[tilespmem:$0x1A400] =	vst v63  }
0x9d: {  	_ =	swait.ge @!p1 [sflag:s8], $0x1F40  }
0x9e: {  	[sflag:s8] =	ssyncset.done @!p1 $0x0  }
0x9f: {  	s28 =	simm.s32 $0x100;
	[sflag:s8] =	ssyncadd.s32 @!p1 $0xFFFFE0C0  }
0xa0: {  	[tilespmem:s23], [sflag:$0x1] =	stream.indirect.gather [hbm4b:s6+s22], $0x40, s28, s22, $0xb8;
	[tilespmem:$0x1A400] =	vst v63  }
0xa1: {  	_ =	swait.ge [sflag:s26], $0x1F40  }
0xa2: {  	p2 =	por $0x1, $0x1;
	s1 =	simm.s32 $0x5080;
	[sflag:s26] =	ssyncset.done $0x0  }
0xa3: {  	s4 =	simm.s32 @p2 $0x7D;
	s8 =	simm.s32 @p2 $0xBF40;
	[sflag:s26] =	ssyncadd.s32 $0xFFFFE0C0  }
0xa4: {  	[spmem:s2] =	stream.indirect.scatter.add.f32 @p2 [tilespmem:s8], [sflag:$0x4], $0x40, s1, s4, $0xb8;
	[tilespmem:$0x1A400] =	vst v63  }
0xa5: {  	s4 =	simm.s32 @p2 $0x4  }
0xa6: {  	_ =	swait.ge @p2 [sflag:s4], $0x1F40  }
0xa7: {  	[sflag:s4] =	ssyncset.done @p2 $0x0  }
0xa8: {  	s9 =	simm.s32 @!p2 $0xDE80;
	s8 =	simm.s32 @!p2 $0x7D;
	[sflag:s4] =	ssyncadd.s32 @p2 $0xFFFFE0C0  }
0xa9: {  	[spmem:s3] =	stream.indirect.scatter.add.f32 @!p2 [tilespmem:s9], [sflag:$0x3], $0x1, s1, s8, $0xb8;
	[tilespmem:$0x1A400] =	vst v63  }
0xaa: {  	s4 =	simm.s32 @!p2 $0xBF40;
	s9 =	simm.s32 @!p2 $0x5  }
0xab: {  	[spmem:s2] =	stream.indirect.scatter.add.f32 @!p2 [tilespmem:s4], [sflag:$0x5], $0x40, s1, s8, $0xb8;
	[tilespmem:$0x1A400] =	vst v63  }
0xac: {  	_ =	swait.ge @!p2 [sflag:s9], $0x1F40  }
0xad: {  	[sflag:s9] =	ssyncset.done @!p2 $0x0  }
0xae: {  	s29 =	simm.s32 @!p2 $0x3;
	[sflag:s9] =	ssyncadd.s32 @!p2 $0xFFFFE0C0  }
0xaf: {  	s30 =	simm.s32 $0x1;
	s1 =	simm.s32 $0x5100;
	_ =	swait.ge @!p2 [sflag:s29], $0x7D  }
.LBB2_8:
0xb0: {  	[sflag:s29] =	ssyncset.done @!p2 $0x0  }
0xb1: {  	s28 =	sadd.s32 $0x100, s28;
	s4 =	smov.u32 s30;
	s30 =	sadd.s32 $0x1, s30  }
0xb2: {  	s8 =	sadd.s32 $0xFFFFFF80, s28;
	p1 =	sne.s32 s30, $0x4F;
	[sflag:s29] =	ssyncadd.s32 @!p2 $0xFFFFFF83  }
0xb3: {  	[tilespmem:s24], [sflag:$0x2] =	stream.indirect.gather [hbm4b:s6+s22], $0x40, s8, s22, $0xb8;
	[tilespmem:$0x1A400] =	vst v63  }
0xb4: {  	_ =	swait.ge [sflag:s25], $0x1F40  }
0xb5: {  	p2 =	sgt.u32 s4, $0x27;
	[sflag:s25] =	ssyncset.done $0x0  }
0xb6: {  	s8 =	simm.s32 @p2 $0x7D;
	s9 =	simm.s32 @p2 $0xDE80;
	[sflag:s25] =	ssyncadd.s32 $0xFFFFE0C0  }
0xb7: {  	[spmem:s3] =	stream.indirect.scatter.add.f32 @p2 [tilespmem:s9], [sflag:$0x3], $0x1, s1, s8, $0xb8;
	[tilespmem:$0x1A400] =	vst v63  }
0xb8: {  	s10 =	simm.s32 @p2 $0x5;
	s9 =	simm.s32 @p2 $0xA000  }
0xb9: {  	[spmem:s2] =	stream.indirect.scatter.add.f32 @p2 [tilespmem:s9], [sflag:$0x5], $0x40, s1, s8, $0xb8;
	[tilespmem:$0x1A400] =	vst v63  }
0xba: {  	_ =	swait.ge @p2 [sflag:s10], $0x1F40  }
0xbb: {  	[sflag:s10] =	ssyncset.done @p2 $0x0  }
0xbc: {  	s8 =	simm.s32 @p2 $0x3;
	[sflag:s10] =	ssyncadd.s32 @p2 $0xFFFFE0C0  }
0xbd: {  	_ =	swait.ge @p2 [sflag:s8], $0x7D  }
0xbe: {  	s9 =	simm.s32 @!p2 $0x5;
	[sflag:s8] =	ssyncset.done @p2 $0x0  }
0xbf: {  	s10 =	simm.s32 @!p2 $0xA000;
	[sflag:s8] =	ssyncadd.s32 @p2 $0xFFFFFF83;
	s8 =	simm.s32 @!p2 $0x7D  }
0xc0: {  	[spmem:s2] =	stream.indirect.scatter.add.f32 @!p2 [tilespmem:s10], [sflag:$0x5], $0x40, s1, s8, $0xb8;
	[tilespmem:$0x1A400] =	vst v63  }
0xc1: {  	_ =	swait.ge @!p2 [sflag:s9], $0x1F40  }
0xc2: {  	[sflag:s9] =	ssyncset.done @!p2 $0x0  }
0xc3: {  	[sflag:s9] =	ssyncadd.s32 @!p2 $0xFFFFE0C0  }
0xc4: {  	[tilespmem:s23], [sflag:$0x1] =	stream.indirect.gather [hbm4b:s6+s22], $0x40, s28, s22, $0xb8;
	[tilespmem:$0x1A400] =	vst v63  }
0xc5: {  	_ =	swait.ge [sflag:s26], $0x1F40  }
0xc6: {  	p2 =	slt.u32 s4, $0x28;
	s4 =	sadd.s32 $0x80, s1;
	[sflag:s26] =	ssyncset.done $0x0  }
0xc7: {  	s8 =	simm.s32 @p2 $0x7D;
	s9 =	simm.s32 @p2 $0xBF40;
	[sflag:s26] =	ssyncadd.s32 $0xFFFFE0C0  }
0xc8: {  	[spmem:s2] =	stream.indirect.scatter.add.f32 @p2 [tilespmem:s9], [sflag:$0x4], $0x40, s4, s8, $0xb8;
	[tilespmem:$0x1A400] =	vst v63  }
0xc9: {  	s8 =	simm.s32 @p2 $0x4  }
0xca: {  	_ =	swait.ge @p2 [sflag:s8], $0x1F40  }
0xcb: {  	s10 =	simm.s32 @!p2 $0xDE80;
	s9 =	simm.s32 @!p2 $0x7D;
	[sflag:s8] =	ssyncset.done @p2 $0x0  }
0xcc: {  	[sflag:s8] =	ssyncadd.s32 @p2 $0xFFFFE0C0;
	s8 =	simm.s32 @!p2 $0xBF40  }
0xcd: {  	[spmem:s3] =	stream.indirect.scatter.add.f32 @!p2 [tilespmem:s10], [sflag:$0x3], $0x1, s4, s9, $0xb8;
	[tilespmem:$0x1A400] =	vst v63  }
0xce: {  	s10 =	simm.s32 @!p2 $0x5  }
0xcf: {  	[spmem:s2] =	stream.indirect.scatter.add.f32 @!p2 [tilespmem:s8], [sflag:$0x5], $0x40, s4, s9, $0xb8;
	[tilespmem:$0x1A400] =	vst v63  }
.Ltmp4:
0xd0: {  	_ = 	snop;
	(pc) =	sbr.rel @p1 .LBB2_8-.Ltmp4, $4  }
0xd1: {  	_ =	swait.ge @!p2 [sflag:s10], $0x1F40  }
0xd2: {  	s29 =	simm.s32 @!p2 $0x3;
	[sflag:s10] =	ssyncset.done @!p2 $0x0  }
0xd3: {  	[sflag:s10] =	ssyncadd.s32 @!p2 $0xFFFFE0C0  }
0xd4: {  	s1 =	sadd.s32 $0x100, s1;
	_ =	swait.ge @!p2 [sflag:s29], $0x7D  }
0xd5: {  	[sflag:s29] =	ssyncset.done @!p2 $0x0  }
0xd6: {  	s1 =	simm.s32 $0x4F80;
	[sflag:s29] =	ssyncadd.s32 @!p2 $0xFFFFFF83  }
0xd7: {  	[tilespmem:s24], [sflag:$0x2] =	stream.indirect.gather [hbm4b:s6+s22], $0x40, s1, s22, $0xb8;
	[tilespmem:$0x1A400] =	vst v63  }
0xd8: {  	_ =	swait.ge [sflag:s25], $0x1F40  }
0xd9: {  	[sflag:s25] =	ssyncset.done $0x0  }
0xda: {  	s4 =	simm.s32 $0xDE80;
	s29 =	simm.s32 $0x9F00;
	[sflag:s25] =	ssyncadd.s32 $0xFFFFE0C0  }
0xdb: {  	[spmem:s3] =	stream.indirect.scatter.add.f32 [tilespmem:s4], [sflag:$0x3], $0x1, s29, s22, $0xb8;
	[tilespmem:$0x1A400] =	vst v63  }
0xdc: {  	s30 =	simm.s32 $0x5  }
0xdd: {  	[spmem:s2] =	stream.indirect.scatter.add.f32 [tilespmem:s23], [sflag:$0x5], $0x40, s29, s22, $0xb8;
	[tilespmem:$0x1A400] =	vst v63  }
0xde: {  	_ =	swait.ge [sflag:s30], $0x1F40  }
0xdf: {  	[sflag:s30] =	ssyncset.done $0x0  }
0xe0: {  	s8 =	simm.s32 $0x3;
	[sflag:s30] =	ssyncadd.s32 $0xFFFFE0C0  }
0xe1: {  	_ =	swait.ge [sflag:s8], $0x7D  }
0xe2: {  	[sflag:s8] =	ssyncset.done $0x0  }
0xe3: {  	[sflag:s8] =	ssyncadd.s32 $0xFFFFFF83  }
0xe4: {  	_ =	swait.ge [sflag:s26], $0x1F40  }
0xe5: {  	[sflag:s26] =	ssyncset.done $0x0  }
0xe6: {  	s9 =	simm.s32 $0x9F80;
	[sflag:s26] =	ssyncadd.s32 $0xFFFFE0C0  }
0xe7: {  	[spmem:s3] =	stream.indirect.scatter.add.f32 [tilespmem:s4], [sflag:$0x3], $0x1, s9, s22, $0xb8;
	[tilespmem:$0x1A400] =	vst v63  }
0xe8: {  	_ = 	snop  }
0xe9: {  	[spmem:s2] =	stream.indirect.scatter.add.f32 [tilespmem:s24], [sflag:$0x5], $0x40, s9, s22, $0xb8;
	[tilespmem:$0x1A400] =	vst v63  }
0xea: {  	_ =	swait.ge [sflag:s30], $0x1F40  }
.Ltmp5:
0xeb: {  	[sflag:s30] =	ssyncset.done $0x0;
	(pc) =	sbr.rel .LBB2_10-.Ltmp5, $4  }
0xec: {  	[sflag:s30] =	ssyncadd.s32 $0xFFFFE0C0  }
0xed: {  	_ =	swait.ge [sflag:s8], $0x7D  }
0xee: {  	[sflag:s8] =	ssyncset.done $0x0  }
0xef: {  	[sflag:s8] =	ssyncadd.s32 $0xFFFFFF83  }
.LBB2_4:
0xf0: {  	s1 =	simm.s32 $0x0  }
0xf1: {  	[tilespmem:s23], [sflag:$0x1] =	stream.indirect.gather [hbm4b:s5+s22], $0x40, s1, s22, $0xb8;
	[tilespmem:$0x1A400] =	vst v63  }
0xf2: {  	s20 =	simm.s32 $0x80  }
0xf3: {  	[tilespmem:s24], [sflag:$0x2] =	stream.indirect.gather [hbm4b:s5+s22], $0x40, s20, s22, $0xb8;
	[tilespmem:$0x1A400] =	vst v63  }
0xf4: {  	_ =	swait.ge [sflag:s25], $0x1F40  }
0xf5: {  	p1 =	por $0x0, $0x0;
	s1 =	simm.s32 $0x5000;
	[sflag:s25] =	ssyncset.done $0x0  }
0xf6: {  	s30 =	simm.s32 @p1 $0x7D;
	s28 =	simm.s32 @p1 $0xA000;
	[sflag:s25] =	ssyncadd.s32 $0xFFFFE0C0  }
0xf7: {  	[spmem:s2] =	stream.indirect.scatter.add.f32 @p1 [tilespmem:s28], [sflag:$0x5], $0x40, s1, s30, $0xb8;
	[tilespmem:$0x1A400] =	vst v63  }
0xf8: {  	s28 =	simm.s32 @p1 $0x5  }
0xf9: {  	_ =	swait.ge @p1 [sflag:s28], $0x1F40  }
0xfa: {  	[sflag:s28] =	ssyncset.done @p1 $0x0  }
0xfb: {  	s4 =	simm.s32 @!p1 $0xDE80;
	s20 =	simm.s32 @!p1 $0x7D;
	[sflag:s28] =	ssyncadd.s32 @p1 $0xFFFFE0C0  }
0xfc: {  	[spmem:s3] =	stream.indirect.scatter.add.f32 @!p1 [tilespmem:s4], [sflag:$0x3], $0x1, s1, s20, $0xb8;
	[tilespmem:$0x1A400] =	vst v63  }
0xfd: {  	s8 =	simm.s32 @!p1 $0x5;
	s28 =	simm.s32 @!p1 $0xA000  }
0xfe: {  	[spmem:s2] =	stream.indirect.scatter.add.f32 @!p1 [tilespmem:s28], [sflag:$0x5], $0x40, s1, s20, $0xb8;
	[tilespmem:$0x1A400] =	vst v63  }
0xff: {  	_ =	swait.ge @!p1 [sflag:s8], $0x1F40  }
0x100: {  	[sflag:s8] =	ssyncset.done @!p1 $0x0  }
0x101: {  	s29 =	simm.s32 @!p1 $0x3;
	[sflag:s8] =	ssyncadd.s32 @!p1 $0xFFFFE0C0  }
0x102: {  	_ =	swait.ge @!p1 [sflag:s29], $0x7D  }
0x103: {  	[sflag:s29] =	ssyncset.done @!p1 $0x0  }
0x104: {  	s28 =	simm.s32 $0x100;
	[sflag:s29] =	ssyncadd.s32 @!p1 $0xFFFFFF83  }
0x105: {  	[tilespmem:s23], [sflag:$0x1] =	stream.indirect.gather [hbm4b:s5+s22], $0x40, s28, s22, $0xb8;
	[tilespmem:$0x1A400] =	vst v63  }
0x106: {  	_ =	swait.ge [sflag:s26], $0x1F40  }
0x107: {  	s9 =	simm.s32 @p1 $0xBF40;
	[sflag:s26] =	ssyncset.done $0x0  }
0x108: {  	s10 =	simm.s32 @p1 $0x4;
	s1 =	simm.s32 $0x5080;
	[sflag:s26] =	ssyncadd.s32 $0xFFFFE0C0  }
0x109: {  	[spmem:s2] =	stream.indirect.scatter.add.f32 @p1 [tilespmem:s9], [sflag:$0x4], $0x40, s1, s30, $0xb8;
	[tilespmem:$0x1A400] =	vst v63  }
0x10a: {  	_ =	swait.ge @p1 [sflag:s10], $0x1F40  }
0x10b: {  	[sflag:s10] =	ssyncset.done @p1 $0x0  }
0x10c: {  	[sflag:s10] =	ssyncadd.s32 @p1 $0xFFFFE0C0  }
0x10d: {  	[spmem:s3] =	stream.indirect.scatter.add.f32 @!p1 [tilespmem:s4], [sflag:$0x3], $0x1, s1, s20, $0xb8;
	[tilespmem:$0x1A400] =	vst v63  }
0x10e: {  	s31 =	smov.u32 s12;
	s12 =	smov.u32 s7;
	s4 =	simm.s32 @!p1 $0xBF40  }
0x10f: {  	[spmem:s2] =	stream.indirect.scatter.add.f32 @!p1 [tilespmem:s4], [sflag:$0x5], $0x40, s1, s20, $0xb8;
	[tilespmem:$0x1A400] =	vst v63  }
0x110: {  	s7 =	smov.u32 s0;
	s0 =	smov.u32 s16;
	_ =	swait.ge @!p1 [sflag:s8], $0x1F40  }
0x111: {  	s17 =	smov.u32 s15;
	s16 =	smov.u32 s14;
	[sflag:s8] =	ssyncset.done @!p1 $0x0  }
0x112: {  	s15 =	smov.u32 s13;
	s14 =	smov.u32 s11;
	[sflag:s8] =	ssyncadd.s32 @!p1 $0xFFFFE0C0  }
0x113: {  	s30 =	simm.s32 $0x5100;
	s1 =	simm.s32 $0x1;
	_ =	swait.ge @!p1 [sflag:s29], $0x7D  }
.LBB2_5:
0x114: {  	[sflag:s29] =	ssyncset.done @!p1 $0x0  }
0x115: {  	s28 =	sadd.s32 $0x100, s28;
	s4 =	smov.u32 s1;
	s1 =	sadd.s32 $0x1, s1  }
0x116: {  	s8 =	sadd.s32 $0xFFFFFF80, s28;
	p2 =	seq.s32 s1, $0x4F;
	[sflag:s29] =	ssyncadd.s32 @!p1 $0xFFFFFF83  }
0x117: {  	[tilespmem:s24], [sflag:$0x2] =	stream.indirect.gather [hbm4b:s5+s22], $0x40, s8, s22, $0xb8;
	[tilespmem:$0x1A400] =	vst v63  }
0x118: {  	_ =	swait.ge [sflag:s25], $0x1F40  }
0x119: {  	p1 =	sgt.u32 s4, $0x27;
	[sflag:s25] =	ssyncset.done $0x0  }
0x11a: {  	s4 =	simm.s32 @p1 $0x7D;
	s8 =	simm.s32 @p1 $0xA000;
	[sflag:s25] =	ssyncadd.s32 $0xFFFFE0C0  }
0x11b: {  	[spmem:s2] =	stream.indirect.scatter.add.f32 @p1 [tilespmem:s8], [sflag:$0x5], $0x40, s30, s4, $0xb8;
	[tilespmem:$0x1A400] =	vst v63  }
0x11c: {  	s8 =	simm.s32 @p1 $0x5  }
0x11d: {  	_ =	swait.ge @p1 [sflag:s8], $0x1F40  }
0x11e: {  	s9 =	simm.s32 @!p1 $0x7D;
	s10 =	simm.s32 @!p1 $0xDE80;
	[sflag:s8] =	ssyncset.done @p1 $0x0  }
0x11f: {  	[sflag:s8] =	ssyncadd.s32 @p1 $0xFFFFE0C0;
	s8 =	simm.s32 @!p1 $0xA000  }
0x120: {  	[spmem:s3] =	stream.indirect.scatter.add.f32 @!p1 [tilespmem:s10], [sflag:$0x3], $0x1, s30, s9, $0xb8;
	[tilespmem:$0x1A400] =	vst v63  }
0x121: {  	s20 =	simm.s32 @!p1 $0x5  }
0x122: {  	[spmem:s2] =	stream.indirect.scatter.add.f32 @!p1 [tilespmem:s8], [sflag:$0x5], $0x40, s30, s9, $0xb8;
	[tilespmem:$0x1A400] =	vst v63  }
0x123: {  	_ =	swait.ge @!p1 [sflag:s20], $0x1F40  }
0x124: {  	s29 =	simm.s32 @!p1 $0x3;
	[sflag:s20] =	ssyncset.done @!p1 $0x0  }
0x125: {  	[sflag:s20] =	ssyncadd.s32 @!p1 $0xFFFFE0C0  }
0x126: {  	_ =	swait.ge @!p1 [sflag:s29], $0x7D  }
0x127: {  	[sflag:s29] =	ssyncset.done @!p1 $0x0  }
0x128: {  	[sflag:s29] =	ssyncadd.s32 @!p1 $0xFFFFFF83  }
0x129: {  	[tilespmem:s23], [sflag:$0x1] =	stream.indirect.gather [hbm4b:s5+s22], $0x40, s28, s22, $0xb8;
	[tilespmem:$0x1A400] =	vst v63  }
0x12a: {  	_ =	swait.ge [sflag:s26], $0x1F40  }
0x12b: {  	s11 =	simm.s32 @p1 $0xBF40;
	s8 =	sadd.s32 $0x80, s30;
	[sflag:s26] =	ssyncset.done $0x0  }
0x12c: {  	s13 =	simm.s32 @p1 $0x4;
	[sflag:s26] =	ssyncadd.s32 $0xFFFFE0C0  }
0x12d: {  	[spmem:s2] =	stream.indirect.scatter.add.f32 @p1 [tilespmem:s11], [sflag:$0x4], $0x40, s8, s4, $0xb8;
	[tilespmem:$0x1A400] =	vst v63  }
0x12e: {  	_ =	swait.ge @p1 [sflag:s13], $0x1F40  }
0x12f: {  	[sflag:s13] =	ssyncset.done @p1 $0x0  }
0x130: {  	s4 =	simm.s32 @!p1 $0xBF40;
	[sflag:s13] =	ssyncadd.s32 @p1 $0xFFFFE0C0  }
0x131: {  	[spmem:s3] =	stream.indirect.scatter.add.f32 @!p1 [tilespmem:s10], [sflag:$0x3], $0x1, s8, s9, $0xb8;
	[tilespmem:$0x1A400] =	vst v63  }
0x132: {  	_ = 	snop  }
0x133: {  	[spmem:s2] =	stream.indirect.scatter.add.f32 @!p1 [tilespmem:s4], [sflag:$0x5], $0x40, s8, s9, $0xb8;
	[tilespmem:$0x1A400] =	vst v63  }
.Ltmp6:
0x134: {  	_ = 	snop;
	(pc) =	sbr.rel @!p2 .LBB2_5-.Ltmp6, $4  }
0x135: {  	_ =	swait.ge @!p1 [sflag:s20], $0x1F40  }
0x136: {  	[sflag:s20] =	ssyncset.done @!p1 $0x0  }
0x137: {  	[sflag:s20] =	ssyncadd.s32 @!p1 $0xFFFFE0C0  }
0x138: {  	s30 =	sadd.s32 $0x100, s30;
	_ =	swait.ge @!p1 [sflag:s29], $0x7D  }
.Ltmp7:
0x139: {  	_ = 	snop;
	(pc) =	sbr.rel .LBB2_6-.Ltmp7, $1  }
0x13a: {  	_ =	sdelay $0x3  }
.LBB2_11:
0x13b: {  	_ =	sfence.sel $0x180000  }
0x13c: {  	[bflag:$0x0] =	sbarrier.arrive $0xFFFF  }
0x13d: {  	_ =	strace $0x90000047  }
0x13e: {  	[bflag:$0x2] =	sbarrier.arrive $0xFFFF  }
0x13f: {  	p0 =	sne.s32 s20, $0x0;
	s0 =	rddreg [dreg:$0x4]  }
0x140: {  	s0 =	sadd.s32 @!p0 $0x100000, s0  }
0x141: {  	[sflag:s0] =	ssyncadd.tile.s32 @!p0 $0x1;
	_ =	shalt  }
.Lfunc_end2:
_tile_overlayer_lowered:
.L_overlay_start_2:
0x142: {  	(tag) =	ssettag $0x2  }
0x143: {  	s0 =	rddreg [dreg:$0x0];
	s2 =	stileid.u32  }
0x144: {  	s1 =	rddreg [dreg:$0x1];
	p0 =	sne.s32 s2, $0x0  }
0x145: {  	s3 =	rddreg [dreg:$0x2];
	[bflag:$0x3] =	sbarrier.arrive $0xFFFF;
	s2 =	simm.s32 @!p0 $0x1C04  }
0x146: {  	[timem:s3], [sflag:s2] =	dma.local @!p0 [hbm:s0], s1  }
0x147: {  	s0 =	simm.s32 @!p0 $0x4  }
0x148: {  	_ =	swait.ge @!p0 [sflag:s0], s1  }
0x149: {  	s1 =	ssub.s32 @!p0 $0x0, s1;
	[sflag:s0] =	ssyncset.done @!p0 $0x0  }
0x14a: {  	[sflag:s0] =	ssyncadd.s32 @!p0 s1  }
0x14b: {  	[bflag:$0x3] =	sbarrier.arrive $0xFFFF  }
0x14c: {  	_ =	shalt  }

</sc_bundles>
